<compile_context>
chip_gen: v7x
topology: tpu7x:2x2x1
jax: 0.10.2.dev20260603
libtpu: 0.0.44.dev20260713+nightly
codegen_flags: <defaults>
</compile_context>

<pallas_src>
import functools

import jax
import jax.numpy as jnp
import numpy as np
from jax import lax
from jax.experimental import pallas as pl
from jax.experimental.pallas import tpu as pltpu
from jax.experimental.pallas import tpu_sc as plsc

_B = 4096
_NB = 16
_NB2 = 8
_D = 128
_NEG = 10
_T = 0.07
_AUG_GAE_W = 1e-05
_INS_W = 1e-05
_NORM_W = -0.1
_L2_R = 1e-05

_G = 128
_STEPS = _B // _G
_FG = 512
_FSTEPS = _B // _FG

_NPAIR = _B * _NEG
_N_GAE = _B * _NB + _NPAIR


def _ce1(z):
    return jnp.maximum(z, 0.0) - z + jnp.log(1.0 + jnp.exp(-jnp.abs(z)))


def _ce0(z):
    return jnp.maximum(z, 0.0) + jnp.log(1.0 + jnp.exp(-jnp.abs(z)))


def _main_body(x_ref, nbx_ref, nbnb_ref, gd_ref, w_ref, ws_ref, w8_ref,
               h_ref, aug_ref, a_ref, a2_ref, c_ref, s_ref, w2_ref):
    s = pl.program_id(0)

    @pl.when(s == 0)
    def _init():
        a_ref[...] = jnp.zeros_like(a_ref)
        a2_ref[...] = jnp.zeros_like(a2_ref)
        c_ref[...] = jnp.zeros_like(c_ref)
        s_ref[...] = jnp.zeros_like(s_ref)
        w2_ref[...] = jnp.sum(ws_ref[...] ** 2)[None, None]

    w = w_ref[...]
    nb = nbx_ref[...]
    agg = x_ref[...] + jnp.mean(nb, axis=1)
    h = jnp.maximum(jnp.dot(agg, w, preferred_element_type=jnp.float32), 0.0)
    stdl = jnp.dot(h, ws_ref[...], preferred_element_type=jnp.float32)
    std_t = 1.0 / (1.0 + jnp.exp(-stdl.T))
    std = std_t.T
    gd = gd_ref[...]
    gn = gd / jnp.maximum(
        jnp.sqrt(jnp.sum(gd * gd, axis=1, keepdims=True)), 1e-12)
    aug = h + gn * std
    h_ref[...] = h
    aug_ref[...] = aug

    nbf = nb.reshape(_G * _NB, _D)
    m8 = jnp.dot(nbnb_ref[...].reshape(_G * _NB, _NB2 * _D), w8_ref[...],
                 preferred_element_type=jnp.float32)
    nbh = jnp.maximum(
        jnp.dot(nbf, w, preferred_element_type=jnp.float32) + m8, 0.0)
    nbh3 = nbh.reshape(_G, _NB, _D)
    pos = jnp.sum(h[:, None, :] * nbh3, axis=2)
    apos = jnp.sum(aug[:, None, :] * nbh3, axis=2)
    ipos = jnp.sum(aug * h, axis=1, keepdims=True)

    z = jnp.concatenate([pos, apos, ipos], axis=1).T * (1.0 / _T)
    ce = _ce1(z)
    a_ref[...] += jnp.sum(ce[:_NB])[None, None]
    a2_ref[...] += jnp.sum(ce[_NB:2 * _NB])[None, None]
    c_ref[...] += jnp.sum(ce[2 * _NB:2 * _NB + 1])[None, None]
    s_ref[...] += jnp.sum(std_t)[None, None]


def _main_call(x, nbx, nbnbx, gradint_dir, w, w_std):
    scal = jax.ShapeDtypeStruct((1, 1), jnp.float32)
    return pl.pallas_call(
        _main_body,
        grid=(_STEPS,),
        in_specs=[
            pl.BlockSpec((_G, _D), lambda s: (s, 0)),
            pl.BlockSpec((_G, _NB, _D), lambda s: (s, 0, 0)),
            pl.BlockSpec((_G * _NB, _NB2, _D), lambda s: (s, 0, 0)),
            pl.BlockSpec((_G, _D), lambda s: (s, 0)),
            pl.BlockSpec((_D, _D), lambda s: (0, 0)),
            pl.BlockSpec((_D, 1), lambda s: (0, 0)),
            pl.BlockSpec((_NB2 * _D, _D), lambda s: (0, 0)),
        ],
        out_specs=[
            pl.BlockSpec((_G, _D), lambda s: (s, 0)),
            pl.BlockSpec((_G, _D), lambda s: (s, 0)),
            pl.BlockSpec((1, 1), lambda s: (0, 0)),
            pl.BlockSpec((1, 1), lambda s: (0, 0)),
            pl.BlockSpec((1, 1), lambda s: (0, 0)),
            pl.BlockSpec((1, 1), lambda s: (0, 0)),
            pl.BlockSpec((1, 1), lambda s: (0, 0)),
        ],
        out_shape=[
            jax.ShapeDtypeStruct((_B, _D), jnp.float32),
            jax.ShapeDtypeStruct((_B, _D), jnp.float32),
            scal, scal, scal, scal, scal,
        ],
    )(x, nbx, nbnbx, gradint_dir, w, w_std,
      jnp.broadcast_to(w * (1.0 / _NB2), (_NB2, _D, _D)).reshape(_NB2 * _D, _D))



_NW = 32
_BPW = _NPAIR // _NW
_CH = 320
_NCHUNK = _BPW // _CH


_NEG_IDX2 = np.asarray(
    jax.random.randint(jax.random.key(42), (_B, _NEG), 0, _B),
    dtype=np.int32).reshape(_NW * _NCHUNK, _CH)


def _sc_gather(h, idx2):
    mesh = plsc.VectorSubcoreMesh(core_axis_name="c", subcore_axis_name="s")

    @functools.partial(
        pl.kernel,
        mesh=mesh,
        out_type=jax.ShapeDtypeStruct((_NPAIR, _D), jnp.float32),
        scratch_types=[
            [pltpu.VMEM((_CH,), jnp.int32) for _ in range(_NCHUNK)],
            [pltpu.VMEM((_CH, _D), jnp.float32) for _ in range(2)],
            [pltpu.SemaphoreType.DMA for _ in range(2)],
            [pltpu.SemaphoreType.DMA for _ in range(2)],
        ],
    )
    def k(h_hbm, idx_hbm, out_hbm, idx_vs, bufs, gsems, ssems):
        wid = lax.axis_index("s") * 2 + lax.axis_index("c")
        for c in range(_NCHUNK):
            pltpu.sync_copy(idx_hbm.at[wid * _NCHUNK + c], idx_vs[c])
        g = pltpu.async_copy(h_hbm.at[idx_vs[0]], bufs[0], gsems[0])
        scats = [None, None]
        for c in range(_NCHUNK):
            b = c % 2
            g.wait()
            s = pltpu.async_copy(
                bufs[b], out_hbm.at[pl.ds(wid * _BPW + c * _CH, _CH)], ssems[b])
            if c + 1 < _NCHUNK:
                nb_ = (c + 1) % 2
                if scats[nb_] is not None:
                    scats[nb_].wait()
                g = pltpu.async_copy(h_hbm.at[idx_vs[c + 1]], bufs[nb_],
                                     gsems[nb_])
            scats[b] = s
        scats[0].wait()
        scats[1].wait()

    return k(h, idx2)



def _fin_body(h_ref, aug_ref, neg_ref, a_ref, a2_ref, c_ref, s_ref, w2_ref,
              tot_ref, gae_ref, agae_ref, inst_ref, norm_ref, bacc, b2acc):
    s = pl.program_id(0)

    @pl.when(s == 0)
    def _init():
        bacc[...] = jnp.zeros_like(bacc)
        b2acc[...] = jnp.zeros_like(b2acc)

    h = h_ref[...]
    aug = aug_ref[...]
    ng = neg_ref[...].reshape(_FG, _NEG, _D)
    d1 = jnp.sum(h[:, None, :] * ng, axis=2)
    d2 = jnp.sum(aug[:, None, :] * ng, axis=2)
    z = jnp.concatenate([d1, d2], axis=1).T * (1.0 / _T)
    ce = _ce0(z)
    bacc[...] += jnp.sum(ce[:_NEG])[None, None]
    b2acc[...] += jnp.sum(ce[_NEG:])[None, None]

    @pl.when(s == _FSTEPS - 1)
    def _fin():
        a = a_ref[...]
        a2 = a2_ref[...]
        c = c_ref[...]
        ssum = s_ref[...]
        w2 = w2_ref[...]
        b = bacc[...]
        b2 = b2acc[...]
        gae = (a + b) * (1.0 / _N_GAE)
        agae = (a2 + b2) * (_AUG_GAE_W / _N_GAE)
        inst = (c + b2) * (_INS_W / _B)
        norm = (1.0 - ssum * (1.0 / _B)) * _NORM_W
        tot_ref[...] = gae + agae + inst + norm + _L2_R * w2
        gae_ref[...] = gae
        agae_ref[...] = agae
        inst_ref[...] = inst
        norm_ref[...] = norm


def _fin_call(h, aug, neg3, a, a2, c, ssum, w2):
    scal_spec = pl.BlockSpec((1, 1), lambda s: (0, 0))
    scal = jax.ShapeDtypeStruct((1, 1), jnp.float32)
    return pl.pallas_call(
        _fin_body,
        grid=(_FSTEPS,),
        in_specs=[
            pl.BlockSpec((_FG, _D), lambda s: (s, 0)),
            pl.BlockSpec((_FG, _D), lambda s: (s, 0)),
            pl.BlockSpec((_FG * _NEG, _D), lambda s: (s, 0)),
            scal_spec, scal_spec, scal_spec, scal_spec, scal_spec,
        ],
        out_specs=[scal_spec, scal_spec, scal_spec, scal_spec, scal_spec],
        out_shape=[scal, scal, scal, scal, scal],
        scratch_shapes=[
            pltpu.VMEM((1, 1), jnp.float32),
            pltpu.VMEM((1, 1), jnp.float32),
        ],
    )(h, aug, neg3, a, a2, c, ssum, w2)


def kernel(x, nbx, nbnbx, gradint_dir, W, W_std):
    h, aug, a, a2, c, ssum, w2 = _main_call(x, nbx, nbnbx, gradint_dir, W, W_std)
    neg_rows = _sc_gather(h, jnp.asarray(_NEG_IDX2))
    tot, gae, agae, inst, norm = _fin_call(h, aug, neg_rows, a, a2, c, ssum, w2)
    return (tot[0, 0], gae[0, 0], agae[0, 0], inst[0, 0], norm[0, 0], h, aug)

# --- scband reference (transcript-rebuilt; emitter-appended) ---
"""Pipeline reference for scband-foward-r-79190607004082 (READ-ONLY COPY).

The authoritative reference and input builder live on the scoring server;
editing this copy changes nothing except your own understanding.
"""

import jax, jax.numpy as jnp
import numpy as np

B = 4096
NB = 16
NB2 = 8
D = 128
EMB = 128
NEG = 10
T = 0.07
AUG_GAE_W = 1e-05
INS_W = 1e-05
NORM_W = -0.1
L2_R = 1e-05


def setup_inputs(seed: int = 0) -> dict:
    key = jax.random.key(seed)
    ks = jax.random.split(key, 6)
    x = jax.random.normal(ks[0], (B, D), dtype=jnp.float32)
    nbx = jax.random.normal(ks[1], (B, NB, D), dtype=jnp.float32)
    nbnbx = jax.random.normal(ks[2], (B * NB, NB2, D), dtype=jnp.float32)
    gradint_dir = jax.random.normal(ks[3], (B, D), dtype=jnp.float32)
    W = jax.random.normal(ks[4], (D, EMB), dtype=jnp.float32) * (1.0 / np.sqrt(D))
    W_std = jax.random.normal(ks[5], (EMB, 1), dtype=jnp.float32) * (1.0 / np.sqrt(EMB))
    return {"x": x, "nbx": nbx, "nbnbx": nbnbx, "gradint_dir": gradint_dir, "W": W, "W_std": W_std}


def _graph_enc(x, nbx, W):
    # BatchGraphConvolution (GraphSAGE-mean style, shared weight, no bias, relu act)
    agg = x + jnp.mean(nbx, axis=1)
    return jax.nn.relu(agg @ W)


def _sigmoid_ce(labels, logits):
    # tf.nn.sigmoid_cross_entropy_with_logits
    return jnp.maximum(logits, 0.0) - logits * labels + jnp.log1p(jnp.exp(-jnp.abs(logits)))


def _gae_loss(h, nb_h, negative_samples):
    pos = (jnp.sum(h[:, None, :] * nb_h, axis=2)).reshape(-1) / T
    neg = (jnp.sum(h[:, None, :] * negative_samples, axis=2)).reshape(-1) / T
    logits = jnp.concatenate([pos, neg], axis=0)
    labels = jnp.concatenate([jnp.ones(pos.shape[0], jnp.float32), jnp.zeros(neg.shape[0], jnp.float32)], axis=0)
    return jnp.mean(_sigmoid_ce(labels, logits))


def _instance_loss(aug_h, h, neg_h):
    pos = (jnp.sum(aug_h * h, axis=1)).reshape(-1, 1) / T
    neg = jnp.sum(aug_h[:, None, :] * neg_h, axis=2) / T
    logits = jnp.concatenate([pos, neg], axis=1)
    labels = jnp.concatenate([jnp.ones((h.shape[0], 1), jnp.float32), jnp.zeros((h.shape[0], NEG), jnp.float32)], axis=1)
    return jnp.mean(jnp.sum(_sigmoid_ce(labels, logits), axis=1))


def reference(x, nbx, nbnbx, gradint_dir, W, W_std):
    batch = x.shape[0]
    nb_size = nbx.shape[1]
    in_dim = nbx.shape[2]
    # keras.utils.normalize: L2 normalize along last axis
    g = gradint_dir / jnp.maximum(jnp.linalg.norm(gradint_dir, axis=-1, keepdims=True), 1e-12)
    h = _graph_enc(x, nbx, W)
    nbx_flat = nbx.reshape(-1, in_dim)
    nb_h = _graph_enc(nbx_flat, nbnbx, W).reshape(batch, nb_size, -1)
    # negative sampling (np.random in original; fixed key here)
    neg_idx = jax.random.randint(jax.random.key(42), (batch, NEG), 0, batch)
    negative_samples = jnp.take(h, neg_idx, axis=0)
    gae_loss = _gae_loss(h, nb_h, negative_samples)
    std = jax.nn.sigmoid(h @ W_std)
    g = g * std
    # augment_num = 1
    aug_h = h + g
    aug_gae_loss = _gae_loss(aug_h, nb_h, negative_samples) * AUG_GAE_W
    # original code reuses negative_index for instance negatives (faithful)
    ins_negative_samples = jnp.take(h, neg_idx, axis=0)
    instance_loss = _instance_loss(aug_h, h, ins_negative_samples) * INS_W
    aug_final = aug_h / 1.0
    norm_loss = jnp.mean(1.0 - std) * NORM_W
    hinge_loss = 0.0
    loss = gae_loss + aug_gae_loss + instance_loss + hinge_loss + norm_loss
    # keras l2 kernel regularizer on std_enc
    total_loss = loss + L2_R * jnp.sum(W_std ** 2)
    return (total_loss, gae_loss, aug_gae_loss, instance_loss, norm_loss, h, aug_final)

if __name__ == "__main__":
    import jax
    _d = setup_inputs()
    print(jax.jit(kernel)(*tuple(_d.values())))

</pallas_src>

<mosaic_0001>
#map = affine_map<(d0, d1) -> (0, 0)>
module attributes {stable_mosaic.version = 14 : i64} {
  func.func @k(%arg0: i32, %arg1: i32, %arg2: memref<4096x128xf32, #tpu.memory_space<hbm>>, %arg3: memref<128x320xi32, #tpu.memory_space<hbm>>, %arg4: memref<40960x128xf32, #tpu.memory_space<hbm>>, %arg5: memref<320xi32, #tpu.memory_space<vmem>>, %arg6: memref<320xi32, #tpu.memory_space<vmem>>, %arg7: memref<320xi32, #tpu.memory_space<vmem>>, %arg8: memref<320xi32, #tpu.memory_space<vmem>>, %arg9: memref<320x128xf32, #tpu.memory_space<vmem>>, %arg10: memref<320x128xf32, #tpu.memory_space<vmem>>, %arg11: memref<!tpu.dma_semaphore, #tpu.memory_space<semaphore_mem>>, %arg12: memref<!tpu.dma_semaphore, #tpu.memory_space<semaphore_mem>>, %arg13: memref<!tpu.dma_semaphore, #tpu.memory_space<semaphore_mem>>, %arg14: memref<!tpu.dma_semaphore, #tpu.memory_space<semaphore_mem>>) attributes {dimension_semantics = [#tpu.dimension_semantics<core_parallel>, #tpu.dimension_semantics<subcore_parallel>], iteration_bounds = array<i64: 2, 16>, scalar_prefetch = 0 : i64, scratch_operands = 10 : i64, tpu.core_type = #tpu.core_type<sc_vector_subcore>, window_params = [{transform_indices = #map}, {transform_indices = #map}, {transform_indices = #map}]} {
    %mul3A = arith.constant 2 : i32
    %mul3A_0 = arith.muli %arg1, %mul3A : i32
    %add3A = arith.addi %mul3A_0, %arg0 : i32
    %mul3A_1 = arith.constant 4 : i32
    %mul3A_2 = arith.muli %add3A, %mul3A_1 : i32
    %add3A_3 = arith.constant 0 : i32
    %add3A_4 = arith.addi %mul3A_2, %add3A_3 : i32
    "tpu.region"() ({
      %run_scoped3A = tpu.sem_alloc : memref<!tpu.dma_semaphore, #tpu.memory_space<semaphore_mem>>
      %dma_start3A_87 = arith.constant 0 : i32
      %dma_start3A_88 = tpu.memref_slice %arg3[%add3A_4, %dma_start3A_87] : memref<128x320xi32, #tpu.memory_space<hbm>> -> memref<1x320xi32, #tpu.memory_space<hbm>>
      %dma_start3A_89 = tpu.memref_squeeze %dma_start3A_88 : memref<1x320xi32, #tpu.memory_space<hbm>> -> memref<320xi32, #tpu.memory_space<hbm>>
      %dma_start3A_90 = arith.constant 0 : i32
      %dma_start3A_91 = tpu.memref_slice %arg3[%add3A_4, %dma_start3A_90] : memref<128x320xi32, #tpu.memory_space<hbm>> -> memref<1x320xi32, #tpu.memory_space<hbm>>
      %dma_start3A_92 = tpu.memref_squeeze %dma_start3A_91 : memref<1x320xi32, #tpu.memory_space<hbm>> -> memref<320xi32, #tpu.memory_space<hbm>>
      tpu.enqueue_dma source(%dma_start3A_92 : memref<320xi32, #tpu.memory_space<hbm>>) target(%arg5 : memref<320xi32, #tpu.memory_space<vmem>>) target_semaphore(%run_scoped3A : memref<!tpu.dma_semaphore, #tpu.memory_space<semaphore_mem>>)
      %dma_wait3A_93 = arith.constant 0 : i32
      %dma_wait3A_94 = tpu.memref_slice %arg3[%add3A_4, %dma_wait3A_93] : memref<128x320xi32, #tpu.memory_space<hbm>> -> memref<1x320xi32, #tpu.memory_space<hbm>>
      %dma_wait3A_95 = tpu.memref_squeeze %dma_wait3A_94 : memref<1x320xi32, #tpu.memory_space<hbm>> -> memref<320xi32, #tpu.memory_space<hbm>>
      %dma_wait3A_96 = arith.constant 0 : i32
      %dma_wait3A_97 = tpu.memref_slice %arg3[%add3A_4, %dma_wait3A_96] : memref<128x320xi32, #tpu.memory_space<hbm>> -> memref<1x320xi32, #tpu.memory_space<hbm>>
      %dma_wait3A_98 = tpu.memref_squeeze %dma_wait3A_97 : memref<1x320xi32, #tpu.memory_space<hbm>> -> memref<320xi32, #tpu.memory_space<hbm>>
      tpu.wait_dma2 semaphore(%run_scoped3A : memref<!tpu.dma_semaphore, #tpu.memory_space<semaphore_mem>>) src(%dma_wait3A_98 : memref<320xi32, #tpu.memory_space<hbm>>) dst(%arg5 : memref<320xi32, #tpu.memory_space<vmem>>)
      tpu.yield
    }) : () -> ()
    %mul3A_5 = arith.constant 4 : i32
    %mul3A_6 = arith.muli %add3A, %mul3A_5 : i32
    %add3A_7 = arith.constant 1 : i32
    %add3A_8 = arith.addi %mul3A_6, %add3A_7 : i32
    "tpu.region"() ({
      %run_scoped3A = tpu.sem_alloc : memref<!tpu.dma_semaphore, #tpu.memory_space<semaphore_mem>>
      %dma_start3A_87 = arith.constant 0 : i32
      %dma_start3A_88 = tpu.memref_slice %arg3[%add3A_8, %dma_start3A_87] : memref<128x320xi32, #tpu.memory_space<hbm>> -> memref<1x320xi32, #tpu.memory_space<hbm>>
      %dma_start3A_89 = tpu.memref_squeeze %dma_start3A_88 : memref<1x320xi32, #tpu.memory_space<hbm>> -> memref<320xi32, #tpu.memory_space<hbm>>
      %dma_start3A_90 = arith.constant 0 : i32
      %dma_start3A_91 = tpu.memref_slice %arg3[%add3A_8, %dma_start3A_90] : memref<128x320xi32, #tpu.memory_space<hbm>> -> memref<1x320xi32, #tpu.memory_space<hbm>>
      %dma_start3A_92 = tpu.memref_squeeze %dma_start3A_91 : memref<1x320xi32, #tpu.memory_space<hbm>> -> memref<320xi32, #tpu.memory_space<hbm>>
      tpu.enqueue_dma source(%dma_start3A_92 : memref<320xi32, #tpu.memory_space<hbm>>) target(%arg6 : memref<320xi32, #tpu.memory_space<vmem>>) target_semaphore(%run_scoped3A : memref<!tpu.dma_semaphore, #tpu.memory_space<semaphore_mem>>)
      %dma_wait3A_93 = arith.constant 0 : i32
      %dma_wait3A_94 = tpu.memref_slice %arg3[%add3A_8, %dma_wait3A_93] : memref<128x320xi32, #tpu.memory_space<hbm>> -> memref<1x320xi32, #tpu.memory_space<hbm>>
      %dma_wait3A_95 = tpu.memref_squeeze %dma_wait3A_94 : memref<1x320xi32, #tpu.memory_space<hbm>> -> memref<320xi32, #tpu.memory_space<hbm>>
      %dma_wait3A_96 = arith.constant 0 : i32
      %dma_wait3A_97 = tpu.memref_slice %arg3[%add3A_8, %dma_wait3A_96] : memref<128x320xi32, #tpu.memory_space<hbm>> -> memref<1x320xi32, #tpu.memory_space<hbm>>
      %dma_wait3A_98 = tpu.memref_squeeze %dma_wait3A_97 : memref<1x320xi32, #tpu.memory_space<hbm>> -> memref<320xi32, #tpu.memory_space<hbm>>
      tpu.wait_dma2 semaphore(%run_scoped3A : memref<!tpu.dma_semaphore, #tpu.memory_space<semaphore_mem>>) src(%dma_wait3A_98 : memref<320xi32, #tpu.memory_space<hbm>>) dst(%arg6 : memref<320xi32, #tpu.memory_space<vmem>>)
      tpu.yield
    }) : () -> ()
    %mul3A_9 = arith.constant 4 : i32
    %mul3A_10 = arith.muli %add3A, %mul3A_9 : i32
    %add3A_11 = arith.constant 2 : i32
    %add3A_12 = arith.addi %mul3A_10, %add3A_11 : i32
    "tpu.region"() ({
      %run_scoped3A = tpu.sem_alloc : memref<!tpu.dma_semaphore, #tpu.memory_space<semaphore_mem>>
      %dma_start3A_87 = arith.constant 0 : i32
      %dma_start3A_88 = tpu.memref_slice %arg3[%add3A_12, %dma_start3A_87] : memref<128x320xi32, #tpu.memory_space<hbm>> -> memref<1x320xi32, #tpu.memory_space<hbm>>
      %dma_start3A_89 = tpu.memref_squeeze %dma_start3A_88 : memref<1x320xi32, #tpu.memory_space<hbm>> -> memref<320xi32, #tpu.memory_space<hbm>>
      %dma_start3A_90 = arith.constant 0 : i32
      %dma_start3A_91 = tpu.memref_slice %arg3[%add3A_12, %dma_start3A_90] : memref<128x320xi32, #tpu.memory_space<hbm>> -> memref<1x320xi32, #tpu.memory_space<hbm>>
      %dma_start3A_92 = tpu.memref_squeeze %dma_start3A_91 : memref<1x320xi32, #tpu.memory_space<hbm>> -> memref<320xi32, #tpu.memory_space<hbm>>
      tpu.enqueue_dma source(%dma_start3A_92 : memref<320xi32, #tpu.memory_space<hbm>>) target(%arg7 : memref<320xi32, #tpu.memory_space<vmem>>) target_semaphore(%run_scoped3A : memref<!tpu.dma_semaphore, #tpu.memory_space<semaphore_mem>>)
      %dma_wait3A_93 = arith.constant 0 : i32
      %dma_wait3A_94 = tpu.memref_slice %arg3[%add3A_12, %dma_wait3A_93] : memref<128x320xi32, #tpu.memory_space<hbm>> -> memref<1x320xi32, #tpu.memory_space<hbm>>
      %dma_wait3A_95 = tpu.memref_squeeze %dma_wait3A_94 : memref<1x320xi32, #tpu.memory_space<hbm>> -> memref<320xi32, #tpu.memory_space<hbm>>
      %dma_wait3A_96 = arith.constant 0 : i32
      %dma_wait3A_97 = tpu.memref_slice %arg3[%add3A_12, %dma_wait3A_96] : memref<128x320xi32, #tpu.memory_space<hbm>> -> memref<1x320xi32, #tpu.memory_space<hbm>>
      %dma_wait3A_98 = tpu.memref_squeeze %dma_wait3A_97 : memref<1x320xi32, #tpu.memory_space<hbm>> -> memref<320xi32, #tpu.memory_space<hbm>>
      tpu.wait_dma2 semaphore(%run_scoped3A : memref<!tpu.dma_semaphore, #tpu.memory_space<semaphore_mem>>) src(%dma_wait3A_98 : memref<320xi32, #tpu.memory_space<hbm>>) dst(%arg7 : memref<320xi32, #tpu.memory_space<vmem>>)
      tpu.yield
    }) : () -> ()
    %mul3A_13 = arith.constant 4 : i32
    %mul3A_14 = arith.muli %add3A, %mul3A_13 : i32
    %add3A_15 = arith.constant 3 : i32
    %add3A_16 = arith.addi %mul3A_14, %add3A_15 : i32
    "tpu.region"() ({
      %run_scoped3A = tpu.sem_alloc : memref<!tpu.dma_semaphore, #tpu.memory_space<semaphore_mem>>
      %dma_start3A_87 = arith.constant 0 : i32
      %dma_start3A_88 = tpu.memref_slice %arg3[%add3A_16, %dma_start3A_87] : memref<128x320xi32, #tpu.memory_space<hbm>> -> memref<1x320xi32, #tpu.memory_space<hbm>>
      %dma_start3A_89 = tpu.memref_squeeze %dma_start3A_88 : memref<1x320xi32, #tpu.memory_space<hbm>> -> memref<320xi32, #tpu.memory_space<hbm>>
      %dma_start3A_90 = arith.constant 0 : i32
      %dma_start3A_91 = tpu.memref_slice %arg3[%add3A_16, %dma_start3A_90] : memref<128x320xi32, #tpu.memory_space<hbm>> -> memref<1x320xi32, #tpu.memory_space<hbm>>
      %dma_start3A_92 = tpu.memref_squeeze %dma_start3A_91 : memref<1x320xi32, #tpu.memory_space<hbm>> -> memref<320xi32, #tpu.memory_space<hbm>>
      tpu.enqueue_dma source(%dma_start3A_92 : memref<320xi32, #tpu.memory_space<hbm>>) target(%arg8 : memref<320xi32, #tpu.memory_space<vmem>>) target_semaphore(%run_scoped3A : memref<!tpu.dma_semaphore, #tpu.memory_space<semaphore_mem>>)
      %dma_wait3A_93 = arith.constant 0 : i32
      %dma_wait3A_94 = tpu.memref_slice %arg3[%add3A_16, %dma_wait3A_93] : memref<128x320xi32, #tpu.memory_space<hbm>> -> memref<1x320xi32, #tpu.memory_space<hbm>>
      %dma_wait3A_95 = tpu.memref_squeeze %dma_wait3A_94 : memref<1x320xi32, #tpu.memory_space<hbm>> -> memref<320xi32, #tpu.memory_space<hbm>>
      %dma_wait3A_96 = arith.constant 0 : i32
      %dma_wait3A_97 = tpu.memref_slice %arg3[%add3A_16, %dma_wait3A_96] : memref<128x320xi32, #tpu.memory_space<hbm>> -> memref<1x320xi32, #tpu.memory_space<hbm>>
      %dma_wait3A_98 = tpu.memref_squeeze %dma_wait3A_97 : memref<1x320xi32, #tpu.memory_space<hbm>> -> memref<320xi32, #tpu.memory_space<hbm>>
      tpu.wait_dma2 semaphore(%run_scoped3A : memref<!tpu.dma_semaphore, #tpu.memory_space<semaphore_mem>>) src(%dma_wait3A_98 : memref<320xi32, #tpu.memory_space<hbm>>) dst(%arg8 : memref<320xi32, #tpu.memory_space<vmem>>)
      tpu.yield
    }) : () -> ()
    %dma_start3A = arith.constant 0 : i32
    %dma_start3A_17 = arith.constant 0 : i32
    %dma_start3A_18 = tpu.memref_slice %arg2[%dma_start3A, %dma_start3A_17] : memref<4096x128xf32, #tpu.memory_space<hbm>> -> memref<4096x128xf32, #tpu.memory_space<hbm>>
    tpu.enqueue_indirect_dma source(%dma_start3A_18 : memref<4096x128xf32, #tpu.memory_space<hbm>>) target(%arg9 : memref<320x128xf32, #tpu.memory_space<vmem>>) offsets(%arg5 : memref<320xi32, #tpu.memory_space<vmem>>) semaphore(%arg11 : memref<!tpu.dma_semaphore, #tpu.memory_space<semaphore_mem>>)
    %dma_wait3A = arith.constant 0 : i32
    %dma_wait3A_19 = arith.constant 0 : i32
    %dma_wait3A_20 = tpu.memref_slice %arg2[%dma_wait3A, %dma_wait3A_19] : memref<4096x128xf32, #tpu.memory_space<hbm>> -> memref<4096x128xf32, #tpu.memory_space<hbm>>
    tpu.wait_indirect_dma semaphore(%arg11 : memref<!tpu.dma_semaphore, #tpu.memory_space<semaphore_mem>>) src(%dma_wait3A_20 : memref<4096x128xf32, #tpu.memory_space<hbm>>) dst(%arg9 : memref<320x128xf32, #tpu.memory_space<vmem>>)
    %mul3A_21 = arith.constant 1280 : i32
    %mul3A_22 = arith.muli %add3A, %mul3A_21 : i32
    %add3A_23 = arith.constant 0 : i32
    %add3A_24 = arith.addi %mul3A_22, %add3A_23 : i32
    %dma_start3A_25 = arith.constant 0 : i32
    %dma_start3A_26 = tpu.memref_slice %arg4[%add3A_24, %dma_start3A_25] : memref<40960x128xf32, #tpu.memory_space<hbm>> -> memref<320x128xf32, #tpu.memory_space<hbm>>
    %dma_start3A_27 = arith.constant 0 : i32
    %dma_start3A_28 = tpu.memref_slice %arg4[%add3A_24, %dma_start3A_27] : memref<40960x128xf32, #tpu.memory_space<hbm>> -> memref<320x128xf32, #tpu.memory_space<hbm>>
    tpu.enqueue_dma source(%arg9 : memref<320x128xf32, #tpu.memory_space<vmem>>) target(%dma_start3A_28 : memref<320x128xf32, #tpu.memory_space<hbm>>) target_semaphore(%arg13 : memref<!tpu.dma_semaphore, #tpu.memory_space<semaphore_mem>>)
    %dma_start3A_29 = arith.constant 0 : i32
    %dma_start3A_30 = arith.constant 0 : i32
    %dma_start3A_31 = tpu.memref_slice %arg2[%dma_start3A_29, %dma_start3A_30] : memref<4096x128xf32, #tpu.memory_space<hbm>> -> memref<4096x128xf32, #tpu.memory_space<hbm>>
    tpu.enqueue_indirect_dma source(%dma_start3A_31 : memref<4096x128xf32, #tpu.memory_space<hbm>>) target(%arg10 : memref<320x128xf32, #tpu.memory_space<vmem>>) offsets(%arg6 : memref<320xi32, #tpu.memory_space<vmem>>) semaphore(%arg12 : memref<!tpu.dma_semaphore, #tpu.memory_space<semaphore_mem>>)
    %dma_wait3A_32 = arith.constant 0 : i32
    %dma_wait3A_33 = arith.constant 0 : i32
    %dma_wait3A_34 = tpu.memref_slice %arg2[%dma_wait3A_32, %dma_wait3A_33] : memref<4096x128xf32, #tpu.memory_space<hbm>> -> memref<4096x128xf32, #tpu.memory_space<hbm>>
    tpu.wait_indirect_dma semaphore(%arg12 : memref<!tpu.dma_semaphore, #tpu.memory_space<semaphore_mem>>) src(%dma_wait3A_34 : memref<4096x128xf32, #tpu.memory_space<hbm>>) dst(%arg10 : memref<320x128xf32, #tpu.memory_space<vmem>>)
    %mul3A_35 = arith.constant 1280 : i32
    %mul3A_36 = arith.muli %add3A, %mul3A_35 : i32
    %add3A_37 = arith.constant 320 : i32
    %add3A_38 = arith.addi %mul3A_36, %add3A_37 : i32
    %dma_start3A_39 = arith.constant 0 : i32
    %dma_start3A_40 = tpu.memref_slice %arg4[%add3A_38, %dma_start3A_39] : memref<40960x128xf32, #tpu.memory_space<hbm>> -> memref<320x128xf32, #tpu.memory_space<hbm>>
    %dma_start3A_41 = arith.constant 0 : i32
    %dma_start3A_42 = tpu.memref_slice %arg4[%add3A_38, %dma_start3A_41] : memref<40960x128xf32, #tpu.memory_space<hbm>> -> memref<320x128xf32, #tpu.memory_space<hbm>>
    tpu.enqueue_dma source(%arg10 : memref<320x128xf32, #tpu.memory_space<vmem>>) target(%dma_start3A_42 : memref<320x128xf32, #tpu.memory_space<hbm>>) target_semaphore(%arg14 : memref<!tpu.dma_semaphore, #tpu.memory_space<semaphore_mem>>)
    %dma_wait3A_43 = arith.constant 0 : i32
    %dma_wait3A_44 = tpu.memref_slice %arg4[%add3A_24, %dma_wait3A_43] : memref<40960x128xf32, #tpu.memory_space<hbm>> -> memref<320x128xf32, #tpu.memory_space<hbm>>
    %dma_wait3A_45 = arith.constant 0 : i32
    %dma_wait3A_46 = tpu.memref_slice %arg4[%add3A_24, %dma_wait3A_45] : memref<40960x128xf32, #tpu.memory_space<hbm>> -> memref<320x128xf32, #tpu.memory_space<hbm>>
    tpu.wait_dma2 semaphore(%arg13 : memref<!tpu.dma_semaphore, #tpu.memory_space<semaphore_mem>>) src(%arg9 : memref<320x128xf32, #tpu.memory_space<vmem>>) dst(%dma_wait3A_46 : memref<320x128xf32, #tpu.memory_space<hbm>>)
    %dma_start3A_47 = arith.constant 0 : i32
    %dma_start3A_48 = arith.constant 0 : i32
    %dma_start3A_49 = tpu.memref_slice %arg2[%dma_start3A_47, %dma_start3A_48] : memref<4096x128xf32, #tpu.memory_space<hbm>> -> memref<4096x128xf32, #tpu.memory_space<hbm>>
    tpu.enqueue_indirect_dma source(%dma_start3A_49 : memref<4096x128xf32, #tpu.memory_space<hbm>>) target(%arg9 : memref<320x128xf32, #tpu.memory_space<vmem>>) offsets(%arg7 : memref<320xi32, #tpu.memory_space<vmem>>) semaphore(%arg11 : memref<!tpu.dma_semaphore, #tpu.memory_space<semaphore_mem>>)
    %dma_wait3A_50 = arith.constant 0 : i32
    %dma_wait3A_51 = arith.constant 0 : i32
    %dma_wait3A_52 = tpu.memref_slice %arg2[%dma_wait3A_50, %dma_wait3A_51] : memref<4096x128xf32, #tpu.memory_space<hbm>> -> memref<4096x128xf32, #tpu.memory_space<hbm>>
    tpu.wait_indirect_dma semaphore(%arg11 : memref<!tpu.dma_semaphore, #tpu.memory_space<semaphore_mem>>) src(%dma_wait3A_52 : memref<4096x128xf32, #tpu.memory_space<hbm>>) dst(%arg9 : memref<320x128xf32, #tpu.memory_space<vmem>>)
    %mul3A_53 = arith.constant 1280 : i32
    %mul3A_54 = arith.muli %add3A, %mul3A_53 : i32
    %add3A_55 = arith.constant 640 : i32
    %add3A_56 = arith.addi %mul3A_54, %add3A_55 : i32
    %dma_start3A_57 = arith.constant 0 : i32
    %dma_start3A_58 = tpu.memref_slice %arg4[%add3A_56, %dma_start3A_57] : memref<40960x128xf32, #tpu.memory_space<hbm>> -> memref<320x128xf32, #tpu.memory_space<hbm>>
    %dma_start3A_59 = arith.constant 0 : i32
    %dma_start3A_60 = tpu.memref_slice %arg4[%add3A_56, %dma_start3A_59] : memref<40960x128xf32, #tpu.memory_space<hbm>> -> memref<320x128xf32, #tpu.memory_space<hbm>>
    tpu.enqueue_dma source(%arg9 : memref<320x128xf32, #tpu.memory_space<vmem>>) target(%dma_start3A_60 : memref<320x128xf32, #tpu.memory_space<hbm>>) target_semaphore(%arg13 : memref<!tpu.dma_semaphore, #tpu.memory_space<semaphore_mem>>)
    %dma_wait3A_61 = arith.constant 0 : i32
    %dma_wait3A_62 = tpu.memref_slice %arg4[%add3A_38, %dma_wait3A_61] : memref<40960x128xf32, #tpu.memory_space<hbm>> -> memref<320x128xf32, #tpu.memory_space<hbm>>
    %dma_wait3A_63 = arith.constant 0 : i32
    %dma_wait3A_64 = tpu.memref_slice %arg4[%add3A_38, %dma_wait3A_63] : memref<40960x128xf32, #tpu.memory_space<hbm>> -> memref<320x128xf32, #tpu.memory_space<hbm>>
    tpu.wait_dma2 semaphore(%arg14 : memref<!tpu.dma_semaphore, #tpu.memory_space<semaphore_mem>>) src(%arg10 : memref<320x128xf32, #tpu.memory_space<vmem>>) dst(%dma_wait3A_64 : memref<320x128xf32, #tpu.memory_space<hbm>>)
    %dma_start3A_65 = arith.constant 0 : i32
    %dma_start3A_66 = arith.constant 0 : i32
    %dma_start3A_67 = tpu.memref_slice %arg2[%dma_start3A_65, %dma_start3A_66] : memref<4096x128xf32, #tpu.memory_space<hbm>> -> memref<4096x128xf32, #tpu.memory_space<hbm>>
    tpu.enqueue_indirect_dma source(%dma_start3A_67 : memref<4096x128xf32, #tpu.memory_space<hbm>>) target(%arg10 : memref<320x128xf32, #tpu.memory_space<vmem>>) offsets(%arg8 : memref<320xi32, #tpu.memory_space<vmem>>) semaphore(%arg12 : memref<!tpu.dma_semaphore, #tpu.memory_space<semaphore_mem>>)
    %dma_wait3A_68 = arith.constant 0 : i32
    %dma_wait3A_69 = arith.constant 0 : i32
    %dma_wait3A_70 = tpu.memref_slice %arg2[%dma_wait3A_68, %dma_wait3A_69] : memref<4096x128xf32, #tpu.memory_space<hbm>> -> memref<4096x128xf32, #tpu.memory_space<hbm>>
    tpu.wait_indirect_dma semaphore(%arg12 : memref<!tpu.dma_semaphore, #tpu.memory_space<semaphore_mem>>) src(%dma_wait3A_70 : memref<4096x128xf32, #tpu.memory_space<hbm>>) dst(%arg10 : memref<320x128xf32, #tpu.memory_space<vmem>>)
    %mul3A_71 = arith.constant 1280 : i32
    %mul3A_72 = arith.muli %add3A, %mul3A_71 : i32
    %add3A_73 = arith.constant 960 : i32
    %add3A_74 = arith.addi %mul3A_72, %add3A_73 : i32
    %dma_start3A_75 = arith.constant 0 : i32
    %dma_start3A_76 = tpu.memref_slice %arg4[%add3A_74, %dma_start3A_75] : memref<40960x128xf32, #tpu.memory_space<hbm>> -> memref<320x128xf32, #tpu.memory_space<hbm>>
    %dma_start3A_77 = arith.constant 0 : i32
    %dma_start3A_78 = tpu.memref_slice %arg4[%add3A_74, %dma_start3A_77] : memref<40960x128xf32, #tpu.memory_space<hbm>> -> memref<320x128xf32, #tpu.memory_space<hbm>>
    tpu.enqueue_dma source(%arg10 : memref<320x128xf32, #tpu.memory_space<vmem>>) target(%dma_start3A_78 : memref<320x128xf32, #tpu.memory_space<hbm>>) target_semaphore(%arg14 : memref<!tpu.dma_semaphore, #tpu.memory_space<semaphore_mem>>)
    %dma_wait3A_79 = arith.constant 0 : i32
    %dma_wait3A_80 = tpu.memref_slice %arg4[%add3A_56, %dma_wait3A_79] : memref<40960x128xf32, #tpu.memory_space<hbm>> -> memref<320x128xf32, #tpu.memory_space<hbm>>
    %dma_wait3A_81 = arith.constant 0 : i32
    %dma_wait3A_82 = tpu.memref_slice %arg4[%add3A_56, %dma_wait3A_81] : memref<40960x128xf32, #tpu.memory_space<hbm>> -> memref<320x128xf32, #tpu.memory_space<hbm>>
    tpu.wait_dma2 semaphore(%arg13 : memref<!tpu.dma_semaphore, #tpu.memory_space<semaphore_mem>>) src(%arg9 : memref<320x128xf32, #tpu.memory_space<vmem>>) dst(%dma_wait3A_82 : memref<320x128xf32, #tpu.memory_space<hbm>>)
    %dma_wait3A_83 = arith.constant 0 : i32
    %dma_wait3A_84 = tpu.memref_slice %arg4[%add3A_74, %dma_wait3A_83] : memref<40960x128xf32, #tpu.memory_space<hbm>> -> memref<320x128xf32, #tpu.memory_space<hbm>>
    %dma_wait3A_85 = arith.constant 0 : i32
    %dma_wait3A_86 = tpu.memref_slice %arg4[%add3A_74, %dma_wait3A_85] : memref<40960x128xf32, #tpu.memory_space<hbm>> -> memref<320x128xf32, #tpu.memory_space<hbm>>
    tpu.wait_dma2 semaphore(%arg14 : memref<!tpu.dma_semaphore, #tpu.memory_space<semaphore_mem>>) src(%arg10 : memref<320x128xf32, #tpu.memory_space<vmem>>) dst(%dma_wait3A_86 : memref<320x128xf32, #tpu.memory_space<hbm>>)
    return
  }
}

module attributes {stable_mosaic.version = 14 : i64} {
  func.func @_main_body(%arg0: i32, %arg1: memref<128x128xf32, #tpu.memory_space<vmem>>, %arg2: memref<128x16x128xf32, #tpu.memory_space<vmem>>, %arg3: memref<2048x8x128xf32, #tpu.memory_space<vmem>>, %arg4: memref<128x128xf32, #tpu.memory_space<vmem>>, %arg5: memref<128x128xf32, #tpu.memory_space<vmem>>, %arg6: memref<128x1xf32, #tpu.memory_space<vmem>>, %arg7: memref<1024x128xf32, #tpu.memory_space<vmem>>, %arg8: memref<128x128xf32, #tpu.memory_space<vmem>>, %arg9: memref<128x128xf32, #tpu.memory_space<vmem>>, %arg10: memref<1x1xf32, #tpu.memory_space<vmem>>, %arg11: memref<1x1xf32, #tpu.memory_space<vmem>>, %arg12: memref<1x1xf32, #tpu.memory_space<vmem>>, %arg13: memref<1x1xf32, #tpu.memory_space<vmem>>, %arg14: memref<1x1xf32, #tpu.memory_space<vmem>>) attributes {dimension_semantics = [#tpu.dimension_semantics<arbitrary>], iteration_bounds = array<i64: 32>, scalar_prefetch = 0 : i64, scratch_operands = 0 : i64, tpu.core_type = #tpu.core_type<tc>, window_params = [{transform_indices = @transform_0, window_bounds = array<i64: 128, 128>}, {transform_indices = @transform_1, window_bounds = array<i64: 128, 16, 128>}, {transform_indices = @transform_2, window_bounds = array<i64: 2048, 8, 128>}, {transform_indices = @transform_3, window_bounds = array<i64: 128, 128>}, {pipeline_mode = #tpu.pipeline_mode<synchronous>, transform_indices = @transform_4, window_bounds = array<i64: 128, 128>}, {pipeline_mode = #tpu.pipeline_mode<synchronous>, transform_indices = @transform_5, window_bounds = array<i64: 128, 1>}, {pipeline_mode = #tpu.pipeline_mode<synchronous>, transform_indices = @transform_6, window_bounds = array<i64: 1024, 128>}, {transform_indices = @transform_7, window_bounds = array<i64: 128, 128>}, {transform_indices = @transform_8, window_bounds = array<i64: 128, 128>}, {pipeline_mode = #tpu.pipeline_mode<synchronous>, transform_indices = @transform_9, window_bounds = array<i64: 1, 1>}, {pipeline_mode = #tpu.pipeline_mode<synchronous>, transform_indices = @transform_10, window_bounds = array<i64: 1, 1>}, {pipeline_mode = #tpu.pipeline_mode<synchronous>, transform_indices = @transform_11, window_bounds = array<i64: 1, 1>}, {pipeline_mode = #tpu.pipeline_mode<synchronous>, transform_indices = @transform_12, window_bounds = array<i64: 1, 1>}, {pipeline_mode = #tpu.pipeline_mode<synchronous>, transform_indices = @transform_13, window_bounds = array<i64: 1, 1>}]} {
    %eq3A = arith.constant 0 : i32
    %eq3A_0 = arith.cmpi eq, %arg0, %eq3A : i32
    %convert_element_type3A = arith.extui %eq3A_0 : i1 to i32
    %cond3A = arith.constant 0 : i32
    %cond3A_1 = arith.cmpi ne, %convert_element_type3A, %cond3A : i32
    scf.if %cond3A_1 {
      %broadcast_in_dim3A_149 = arith.constant 0.000000e+00 : f32
      %broadcast_in_dim3A_150 = vector.broadcast %broadcast_in_dim3A_149 : f32 to vector<1x1xf32>
      %swap3A_151 = arith.constant 0 : index
      %swap3A_152 = arith.constant 0 : index
      %swap3A_153 = vector.load %arg10[%swap3A_151, %swap3A_152] : memref<1x1xf32, #tpu.memory_space<vmem>>, vector<1x1xf32>
      tpu.vector_store %arg10[%swap3A_151, %swap3A_152], %broadcast_in_dim3A_150 {strides = array<i32>} : memref<1x1xf32, #tpu.memory_space<vmem>>, vector<1x1xf32>,
      %broadcast_in_dim3A_154 = arith.constant 0.000000e+00 : f32
      %broadcast_in_dim3A_155 = vector.broadcast %broadcast_in_dim3A_154 : f32 to vector<1x1xf32>
      %swap3A_156 = arith.constant 0 : index
      %swap3A_157 = arith.constant 0 : index
      %swap3A_158 = vector.load %arg11[%swap3A_156, %swap3A_157] : memref<1x1xf32, #tpu.memory_space<vmem>>, vector<1x1xf32>
      tpu.vector_store %arg11[%swap3A_156, %swap3A_157], %broadcast_in_dim3A_155 {strides = array<i32>} : memref<1x1xf32, #tpu.memory_space<vmem>>, vector<1x1xf32>,
      %broadcast_in_dim3A_159 = arith.constant 0.000000e+00 : f32
      %broadcast_in_dim3A_160 = vector.broadcast %broadcast_in_dim3A_159 : f32 to vector<1x1xf32>
      %swap3A_161 = arith.constant 0 : index
      %swap3A_162 = arith.constant 0 : index
      %swap3A_163 = vector.load %arg12[%swap3A_161, %swap3A_162] : memref<1x1xf32, #tpu.memory_space<vmem>>, vector<1x1xf32>
      tpu.vector_store %arg12[%swap3A_161, %swap3A_162], %broadcast_in_dim3A_160 {strides = array<i32>} : memref<1x1xf32, #tpu.memory_space<vmem>>, vector<1x1xf32>,
      %broadcast_in_dim3A_164 = arith.constant 0.000000e+00 : f32
      %broadcast_in_dim3A_165 = vector.broadcast %broadcast_in_dim3A_164 : f32 to vector<1x1xf32>
      %swap3A_166 = arith.constant 0 : index
      %swap3A_167 = arith.constant 0 : index
      %swap3A_168 = vector.load %arg13[%swap3A_166, %swap3A_167] : memref<1x1xf32, #tpu.memory_space<vmem>>, vector<1x1xf32>
      tpu.vector_store %arg13[%swap3A_166, %swap3A_167], %broadcast_in_dim3A_165 {strides = array<i32>} : memref<1x1xf32, #tpu.memory_space<vmem>>, vector<1x1xf32>,
      %get3A_169 = arith.constant 0 : index
      %get3A_170 = arith.constant 0 : index
      %get3A_171 = vector.load %arg6[%get3A_169, %get3A_170] : memref<128x1xf32, #tpu.memory_space<vmem>>, vector<128x1xf32>
      %integer_pow3A = arith.mulf %get3A_171, %get3A_171 : vector<128x1xf32>
      %reduce_sum3A_172 = vector.shape_cast %integer_pow3A : vector<128x1xf32> to vector<1x128x1xf32>
      %reduce_sum3A_173 = arith.constant dense<0.000000e+00> : vector<1xf32>
      %reduce_sum3A_174 = vector.multi_reduction <add>, %reduce_sum3A_172, %reduce_sum3A_173 [1, 2] : vector<1x128x1xf32> to vector<1xf32>
      %reduce_sum3A_175 = vector.shape_cast %reduce_sum3A_174 : vector<1xf32> to vector<1x1x1xf32>
      %reduce_sum3A_176 = vector.extract %reduce_sum3A_175[0, 0, 0] : f32 from vector<1x1x1xf32>
      %broadcast_in_dim3A_177 = vector.broadcast %reduce_sum3A_176 : f32 to vector<1x1xf32>
      %swap3A_178 = arith.constant 0 : index
      %swap3A_179 = arith.constant 0 : index
      %swap3A_180 = vector.load %arg14[%swap3A_178, %swap3A_179] : memref<1x1xf32, #tpu.memory_space<vmem>>, vector<1x1xf32>
      tpu.vector_store %arg14[%swap3A_178, %swap3A_179], %broadcast_in_dim3A_177 {strides = array<i32>} : memref<1x1xf32, #tpu.memory_space<vmem>>, vector<1x1xf32>,
    } else {
    }
    %get3A = arith.constant 0 : index
    %get3A_2 = arith.constant 0 : index
    %get3A_3 = vector.load %arg5[%get3A, %get3A_2] : memref<128x128xf32, #tpu.memory_space<vmem>>, vector<128x128xf32>
    %get3A_4 = arith.constant 0 : index
    %get3A_5 = arith.constant 0 : index
    %get3A_6 = arith.constant 0 : index
    %get3A_7 = vector.load %arg2[%get3A_4, %get3A_5, %get3A_6] : memref<128x16x128xf32, #tpu.memory_space<vmem>>, vector<128x16x128xf32>
    %get3A_8 = arith.constant 0 : index
    %get3A_9 = arith.constant 0 : index
    %get3A_10 = vector.load %arg1[%get3A_8, %get3A_9] : memref<128x128xf32, #tpu.memory_space<vmem>>, vector<128x128xf32>
    %reduce_sum3A = arith.constant dense<0.000000e+00> : vector<128x128xf32>
    %reduce_sum3A_11 = vector.multi_reduction <add>, %get3A_7, %reduce_sum3A [1] : vector<128x16x128xf32> to vector<128x128xf32>
    %div3A = arith.constant 1.600000e+01 : f32
    %div3A_12 = vector.broadcast %div3A : f32 to vector<128x128xf32>
    %div3A_13 = arith.divf %reduce_sum3A_11, %div3A_12 : vector<128x128xf32>
    %add3A = arith.addf %get3A_10, %div3A_13 : vector<128x128xf32>
    %dot_general3A = arith.constant dense<0.000000e+00> : vector<128x128xf32>
    %dot_general3A_14 = tpu.matmul %add3A, %get3A_3, %dot_general3A {dimension_numbers = #tpu.dot_dimension_numbers<[1], [0], [0], [1], [0, 0, 1, 1], [], []>, transpose_lhs_hint = false} : vector<128x128xf32>, vector<128x128xf32>, vector<128x128xf32> -> vector<128x128xf32>
    %max3A = arith.constant 0.000000e+00 : f32
    %max3A_15 = vector.broadcast %max3A : f32 to vector<128x128xf32>
    %max3A_16 = arith.maximumf %dot_general3A_14, %max3A_15 : vector<128x128xf32>
    %get3A_17 = arith.constant 0 : index
    %get3A_18 = arith.constant 0 : index
    %get3A_19 = vector.load %arg6[%get3A_17, %get3A_18] : memref<128x1xf32, #tpu.memory_space<vmem>>, vector<128x1xf32>
    %dot_general3A_20 = arith.constant dense<0.000000e+00> : vector<128x1xf32>
    %dot_general3A_21 = tpu.matmul %max3A_16, %get3A_19, %dot_general3A_20 {dimension_numbers = #tpu.dot_dimension_numbers<[1], [0], [0], [1], [0, 0, 1, 1], [], []>, transpose_lhs_hint = false} : vector<128x128xf32>, vector<128x1xf32>, vector<128x1xf32> -> vector<128x1xf32>
    %transpose3A = tpu.transpose %dot_general3A_21, [1, 0] : vector<128x1xf32> -> vector<1x128xf32>
    %neg3A = arith.constant 0.000000e+00 : f32
    %neg3A_22 = vector.broadcast %neg3A : f32 to vector<1x128xf32>
    %neg3A_23 = arith.subf %neg3A_22, %transpose3A : vector<1x128xf32>
    %exp3A = math.exp %neg3A_23 : vector<1x128xf32>
    %add3A_24 = arith.constant 1.000000e+00 : f32
    %add3A_25 = vector.broadcast %add3A_24 : f32 to vector<1x128xf32>
    %add3A_26 = arith.addf %add3A_25, %exp3A : vector<1x128xf32>
    %div3A_27 = arith.constant 1.000000e+00 : f32
    %div3A_28 = vector.broadcast %div3A_27 : f32 to vector<1x128xf32>
    %div3A_29 = arith.divf %div3A_28, %add3A_26 : vector<1x128xf32>
    %transpose3A_30 = tpu.transpose %div3A_29, [1, 0] : vector<1x128xf32> -> vector<128x1xf32>
    %get3A_31 = arith.constant 0 : index
    %get3A_32 = arith.constant 0 : index
    %get3A_33 = vector.load %arg4[%get3A_31, %get3A_32] : memref<128x128xf32, #tpu.memory_space<vmem>>, vector<128x128xf32>
    %mul3A = arith.mulf %get3A_33, %get3A_33 : vector<128x128xf32>
    %reduce_sum3A_34 = arith.constant dense<0.000000e+00> : vector<128xf32>
    %reduce_sum3A_35 = vector.multi_reduction <add>, %mul3A, %reduce_sum3A_34 [1] : vector<128x128xf32> to vector<128xf32>
    %broadcast_in_dim3A = vector.shape_cast %reduce_sum3A_35 : vector<128xf32> to vector<128x1xf32>
    %sqrt3A = math.sqrt %broadcast_in_dim3A : vector<128x1xf32>
    %max3A_36 = arith.constant 9.99999996E-13 : f32
    %max3A_37 = vector.broadcast %max3A_36 : f32 to vector<128x1xf32>
    %max3A_38 = arith.maximumf %sqrt3A, %max3A_37 : vector<128x1xf32>
    %div3A_39 = vector.broadcast %max3A_38 : vector<128x1xf32> to vector<128x128xf32>
    %div3A_40 = arith.divf %get3A_33, %div3A_39 : vector<128x128xf32>
    %mul3A_41 = vector.broadcast %transpose3A_30 : vector<128x1xf32> to vector<128x128xf32>
    %mul3A_42 = arith.mulf %div3A_40, %mul3A_41 : vector<128x128xf32>
    %add3A_43 = arith.addf %max3A_16, %mul3A_42 : vector<128x128xf32>
    %swap3A = arith.constant 0 : index
    %swap3A_44 = arith.constant 0 : index
    %swap3A_45 = vector.load %arg8[%swap3A, %swap3A_44] : memref<128x128xf32, #tpu.memory_space<vmem>>, vector<128x128xf32>
    tpu.vector_store %arg8[%swap3A, %swap3A_44], %max3A_16 {strides = array<i32>} : memref<128x128xf32, #tpu.memory_space<vmem>>, vector<128x128xf32>,
    %swap3A_46 = arith.constant 0 : index
    %swap3A_47 = arith.constant 0 : index
    %swap3A_48 = vector.load %arg9[%swap3A_46, %swap3A_47] : memref<128x128xf32, #tpu.memory_space<vmem>>, vector<128x128xf32>
    tpu.vector_store %arg9[%swap3A_46, %swap3A_47], %add3A_43 {strides = array<i32>} : memref<128x128xf32, #tpu.memory_space<vmem>>, vector<128x128xf32>,
    %reshape3A = vector.shape_cast %get3A_7 : vector<128x16x128xf32> to vector<2048x128xf32>
    %get3A_49 = arith.constant 0 : index
    %get3A_50 = arith.constant 0 : index
    %get3A_51 = arith.constant 0 : index
    %get3A_52 = vector.load %arg3[%get3A_49, %get3A_50, %get3A_51] : memref<2048x8x128xf32, #tpu.memory_space<vmem>>, vector<2048x8x128xf32>
    %reshape3A_53 = vector.shape_cast %get3A_52 : vector<2048x8x128xf32> to vector<2048x1024xf32>
    %get3A_54 = arith.constant 0 : index
    %get3A_55 = arith.constant 0 : index
    %get3A_56 = vector.load %arg7[%get3A_54, %get3A_55] : memref<1024x128xf32, #tpu.memory_space<vmem>>, vector<1024x128xf32>
    %dot_general3A_57 = arith.constant dense<0.000000e+00> : vector<2048x128xf32>
    %dot_general3A_58 = tpu.matmul %reshape3A_53, %get3A_56, %dot_general3A_57 {dimension_numbers = #tpu.dot_dimension_numbers<[1], [0], [0], [1], [0, 0, 1, 1], [], []>, transpose_lhs_hint = false} : vector<2048x1024xf32>, vector<1024x128xf32>, vector<2048x128xf32> -> vector<2048x128xf32>
    %dot_general3A_59 = arith.constant dense<0.000000e+00> : vector<2048x128xf32>
    %dot_general3A_60 = tpu.matmul %reshape3A, %get3A_3, %dot_general3A_59 {dimension_numbers = #tpu.dot_dimension_numbers<[1], [0], [0], [1], [0, 0, 1, 1], [], []>, transpose_lhs_hint = false} : vector<2048x128xf32>, vector<128x128xf32>, vector<2048x128xf32> -> vector<2048x128xf32>
    %add3A_61 = arith.addf %dot_general3A_60, %dot_general3A_58 : vector<2048x128xf32>
    %max3A_62 = arith.constant 0.000000e+00 : f32
    %max3A_63 = vector.broadcast %max3A_62 : f32 to vector<2048x128xf32>
    %max3A_64 = arith.maximumf %add3A_61, %max3A_63 : vector<2048x128xf32>
    %reshape3A_65 = vector.shape_cast %max3A_64 : vector<2048x128xf32> to vector<128x16x128xf32>
    %broadcast_in_dim3A_66 = vector.shape_cast %max3A_16 : vector<128x128xf32> to vector<128x1x128xf32>
    %mul3A_67 = vector.broadcast %broadcast_in_dim3A_66 : vector<128x1x128xf32> to vector<128x16x128xf32>
    %mul3A_68 = arith.mulf %mul3A_67, %reshape3A_65 : vector<128x16x128xf32>
    %reduce_sum3A_69 = arith.constant dense<0.000000e+00> : vector<128x16xf32>
    %reduce_sum3A_70 = vector.multi_reduction <add>, %mul3A_68, %reduce_sum3A_69 [2] : vector<128x16x128xf32> to vector<128x16xf32>
    %broadcast_in_dim3A_71 = vector.shape_cast %add3A_43 : vector<128x128xf32> to vector<128x1x128xf32>
    %mul3A_72 = vector.broadcast %broadcast_in_dim3A_71 : vector<128x1x128xf32> to vector<128x16x128xf32>
    %mul3A_73 = arith.mulf %mul3A_72, %reshape3A_65 : vector<128x16x128xf32>
    %reduce_sum3A_74 = arith.constant dense<0.000000e+00> : vector<128x16xf32>
    %reduce_sum3A_75 = vector.multi_reduction <add>, %mul3A_73, %reduce_sum3A_74 [2] : vector<128x16x128xf32> to vector<128x16xf32>
    %mul3A_76 = arith.mulf %add3A_43, %max3A_16 : vector<128x128xf32>
    %reduce_sum3A_77 = arith.constant dense<0.000000e+00> : vector<128xf32>
    %reduce_sum3A_78 = vector.multi_reduction <add>, %mul3A_76, %reduce_sum3A_77 [1] : vector<128x128xf32> to vector<128xf32>
    %broadcast_in_dim3A_79 = vector.shape_cast %reduce_sum3A_78 : vector<128xf32> to vector<128x1xf32>
    %concatenate3A = tpu.concatenate %reduce_sum3A_70, %reduce_sum3A_75, %broadcast_in_dim3A_79 in 1 : vector<128x16xf32>, vector<128x16xf32>, vector<128x1xf32> -> vector<128x33xf32>
    %transpose3A_80 = tpu.transpose %concatenate3A, [1, 0] : vector<128x33xf32> -> vector<33x128xf32>
    %mul3A_81 = arith.constant 14.2857141 : f32
    %mul3A_82 = vector.broadcast %mul3A_81 : f32 to vector<33x128xf32>
    %mul3A_83 = arith.mulf %transpose3A_80, %mul3A_82 : vector<33x128xf32>
    %max3A_84 = arith.constant 0.000000e+00 : f32
    %max3A_85 = vector.broadcast %max3A_84 : f32 to vector<33x128xf32>
    %max3A_86 = arith.maximumf %mul3A_83, %max3A_85 : vector<33x128xf32>
    %sub3A = arith.subf %max3A_86, %mul3A_83 : vector<33x128xf32>
    %abs3A = math.absf %mul3A_83 : vector<33x128xf32>
    %neg3A_87 = arith.constant 0.000000e+00 : f32
    %neg3A_88 = vector.broadcast %neg3A_87 : f32 to vector<33x128xf32>
    %neg3A_89 = arith.subf %neg3A_88, %abs3A : vector<33x128xf32>
    %exp3A_90 = math.exp %neg3A_89 : vector<33x128xf32>
    %add3A_91 = arith.constant 1.000000e+00 : f32
    %add3A_92 = vector.broadcast %add3A_91 : f32 to vector<33x128xf32>
    %add3A_93 = arith.addf %add3A_92, %exp3A_90 : vector<33x128xf32>
    %log3A = math.log %add3A_93 : vector<33x128xf32>
    %add3A_94 = arith.addf %sub3A, %log3A : vector<33x128xf32>
    %get3A_95 = arith.constant 0 : index
    %get3A_96 = arith.constant 0 : index
    %get3A_97 = vector.load %arg10[%get3A_95, %get3A_96] : memref<1x1xf32, #tpu.memory_space<vmem>>, vector<1x1xf32>
    %slice3A = vector.extract_strided_slice %add3A_94 {offsets = [0, 0], sizes = [16, 128], strides = [1, 1]} : vector<33x128xf32> to vector<16x128xf32>
    %reduce_sum3A_98 = vector.shape_cast %slice3A : vector<16x128xf32> to vector<1x16x128xf32>
    %reduce_sum3A_99 = arith.constant dense<0.000000e+00> : vector<1xf32>
    %reduce_sum3A_100 = vector.multi_reduction <add>, %reduce_sum3A_98, %reduce_sum3A_99 [1, 2] : vector<1x16x128xf32> to vector<1xf32>
    %reduce_sum3A_101 = vector.shape_cast %reduce_sum3A_100 : vector<1xf32> to vector<1x1x1xf32>
    %reduce_sum3A_102 = vector.extract %reduce_sum3A_101[0, 0, 0] : f32 from vector<1x1x1xf32>
    %broadcast_in_dim3A_103 = vector.broadcast %reduce_sum3A_102 : f32 to vector<1x1xf32>
    %add3A_104 = arith.addf %get3A_97, %broadcast_in_dim3A_103 : vector<1x1xf32>
    %swap3A_105 = arith.constant 0 : index
    %swap3A_106 = arith.constant 0 : index
    %swap3A_107 = vector.load %arg10[%swap3A_105, %swap3A_106] : memref<1x1xf32, #tpu.memory_space<vmem>>, vector<1x1xf32>
    tpu.vector_store %arg10[%swap3A_105, %swap3A_106], %add3A_104 {strides = array<i32>} : memref<1x1xf32, #tpu.memory_space<vmem>>, vector<1x1xf32>,
    %get3A_108 = arith.constant 0 : index
    %get3A_109 = arith.constant 0 : index
    %get3A_110 = vector.load %arg11[%get3A_108, %get3A_109] : memref<1x1xf32, #tpu.memory_space<vmem>>, vector<1x1xf32>
    %slice3A_111 = vector.extract_strided_slice %add3A_94 {offsets = [16, 0], sizes = [16, 128], strides = [1, 1]} : vector<33x128xf32> to vector<16x128xf32>
    %reduce_sum3A_112 = vector.shape_cast %slice3A_111 : vector<16x128xf32> to vector<1x16x128xf32>
    %reduce_sum3A_113 = arith.constant dense<0.000000e+00> : vector<1xf32>
    %reduce_sum3A_114 = vector.multi_reduction <add>, %reduce_sum3A_112, %reduce_sum3A_113 [1, 2] : vector<1x16x128xf32> to vector<1xf32>
    %reduce_sum3A_115 = vector.shape_cast %reduce_sum3A_114 : vector<1xf32> to vector<1x1x1xf32>
    %reduce_sum3A_116 = vector.extract %reduce_sum3A_115[0, 0, 0] : f32 from vector<1x1x1xf32>
    %broadcast_in_dim3A_117 = vector.broadcast %reduce_sum3A_116 : f32 to vector<1x1xf32>
    %add3A_118 = arith.addf %get3A_110, %broadcast_in_dim3A_117 : vector<1x1xf32>
    %swap3A_119 = arith.constant 0 : index
    %swap3A_120 = arith.constant 0 : index
    %swap3A_121 = vector.load %arg11[%swap3A_119, %swap3A_120] : memref<1x1xf32, #tpu.memory_space<vmem>>, vector<1x1xf32>
    tpu.vector_store %arg11[%swap3A_119, %swap3A_120], %add3A_118 {strides = array<i32>} : memref<1x1xf32, #tpu.memory_space<vmem>>, vector<1x1xf32>,
    %get3A_122 = arith.constant 0 : index
    %get3A_123 = arith.constant 0 : index
    %get3A_124 = vector.load %arg12[%get3A_122, %get3A_123] : memref<1x1xf32, #tpu.memory_space<vmem>>, vector<1x1xf32>
    %slice3A_125 = vector.extract_strided_slice %add3A_94 {offsets = [32, 0], sizes = [1, 128], strides = [1, 1]} : vector<33x128xf32> to vector<1x128xf32>
    %reduce_sum3A_126 = vector.shape_cast %slice3A_125 : vector<1x128xf32> to vector<1x1x128xf32>
    %reduce_sum3A_127 = arith.constant dense<0.000000e+00> : vector<1xf32>
    %reduce_sum3A_128 = vector.multi_reduction <add>, %reduce_sum3A_126, %reduce_sum3A_127 [1, 2] : vector<1x1x128xf32> to vector<1xf32>
    %reduce_sum3A_129 = vector.shape_cast %reduce_sum3A_128 : vector<1xf32> to vector<1x1x1xf32>
    %reduce_sum3A_130 = vector.extract %reduce_sum3A_129[0, 0, 0] : f32 from vector<1x1x1xf32>
    %broadcast_in_dim3A_131 = vector.broadcast %reduce_sum3A_130 : f32 to vector<1x1xf32>
    %add3A_132 = arith.addf %get3A_124, %broadcast_in_dim3A_131 : vector<1x1xf32>
    %swap3A_133 = arith.constant 0 : index
    %swap3A_134 = arith.constant 0 : index
    %swap3A_135 = vector.load %arg12[%swap3A_133, %swap3A_134] : memref<1x1xf32, #tpu.memory_space<vmem>>, vector<1x1xf32>
    tpu.vector_store %arg12[%swap3A_133, %swap3A_134], %add3A_132 {strides = array<i32>} : memref<1x1xf32, #tpu.memory_space<vmem>>, vector<1x1xf32>,
    %get3A_136 = arith.constant 0 : index
    %get3A_137 = arith.constant 0 : index
    %get3A_138 = vector.load %arg13[%get3A_136, %get3A_137] : memref<1x1xf32, #tpu.memory_space<vmem>>, vector<1x1xf32>
    %reduce_sum3A_139 = vector.shape_cast %div3A_29 : vector<1x128xf32> to vector<1x1x128xf32>
    %reduce_sum3A_140 = arith.constant dense<0.000000e+00> : vector<1xf32>
    %reduce_sum3A_141 = vector.multi_reduction <add>, %reduce_sum3A_139, %reduce_sum3A_140 [1, 2] : vector<1x1x128xf32> to vector<1xf32>
    %reduce_sum3A_142 = vector.shape_cast %reduce_sum3A_141 : vector<1xf32> to vector<1x1x1xf32>
    %reduce_sum3A_143 = vector.extract %reduce_sum3A_142[0, 0, 0] : f32 from vector<1x1x1xf32>
    %broadcast_in_dim3A_144 = vector.broadcast %reduce_sum3A_143 : f32 to vector<1x1xf32>
    %add3A_145 = arith.addf %get3A_138, %broadcast_in_dim3A_144 : vector<1x1xf32>
    %swap3A_146 = arith.constant 0 : index
    %swap3A_147 = arith.constant 0 : index
    %swap3A_148 = vector.load %arg13[%swap3A_146, %swap3A_147] : memref<1x1xf32, #tpu.memory_space<vmem>>, vector<1x1xf32>
    tpu.vector_store %arg13[%swap3A_146, %swap3A_147], %add3A_145 {strides = array<i32>} : memref<1x1xf32, #tpu.memory_space<vmem>>, vector<1x1xf32>,
    return
  }
  func.func @transform_0(%arg0: i32) -> (i32, i32) {
    %c0_i32 = arith.constant 0 : i32
    %c0_i32_0 = arith.constant 0 : i32
    return %arg0, %c0_i32 : i32, i32
  }
  func.func @transform_1(%arg0: i32) -> (i32, i32, i32) {
    %c0_i32 = arith.constant 0 : i32
    %c0_i32_0 = arith.constant 0 : i32
    %c0_i32_1 = arith.constant 0 : i32
    return %arg0, %c0_i32, %c0_i32_0 : i32, i32, i32
  }
  func.func @transform_2(%arg0: i32) -> (i32, i32, i32) {
    %c0_i32 = arith.constant 0 : i32
    %c0_i32_0 = arith.constant 0 : i32
    %c0_i32_1 = arith.constant 0 : i32
    return %arg0, %c0_i32, %c0_i32_0 : i32, i32, i32
  }
  func.func @transform_3(%arg0: i32) -> (i32, i32) {
    %c0_i32 = arith.constant 0 : i32
    %c0_i32_0 = arith.constant 0 : i32
    return %arg0, %c0_i32 : i32, i32
  }
  func.func @transform_4(%arg0: i32) -> (i32, i32) {
    %c0_i32 = arith.constant 0 : i32
    %c0_i32_0 = arith.constant 0 : i32
    %c0_i32_1 = arith.constant 0 : i32
    return %c0_i32, %c0_i32_0 : i32, i32
  }
  func.func @transform_5(%arg0: i32) -> (i32, i32) {
    %c0_i32 = arith.constant 0 : i32
    %c0_i32_0 = arith.constant 0 : i32
    %c0_i32_1 = arith.constant 0 : i32
    return %c0_i32, %c0_i32_0 : i32, i32
  }
  func.func @transform_6(%arg0: i32) -> (i32, i32) {
    %c0_i32 = arith.constant 0 : i32
    %c0_i32_0 = arith.constant 0 : i32
    %c0_i32_1 = arith.constant 0 : i32
    return %c0_i32, %c0_i32_0 : i32, i32
  }
  func.func @transform_7(%arg0: i32) -> (i32, i32) {
    %c0_i32 = arith.constant 0 : i32
    %c0_i32_0 = arith.constant 0 : i32
    return %arg0, %c0_i32 : i32, i32
  }
  func.func @transform_8(%arg0: i32) -> (i32, i32) {
    %c0_i32 = arith.constant 0 : i32
    %c0_i32_0 = arith.constant 0 : i32
    return %arg0, %c0_i32 : i32, i32
  }
  func.func @transform_9(%arg0: i32) -> (i32, i32) {
    %c0_i32 = arith.constant 0 : i32
    %c0_i32_0 = arith.constant 0 : i32
    %c0_i32_1 = arith.constant 0 : i32
    return %c0_i32, %c0_i32_0 : i32, i32
  }
  func.func @transform_10(%arg0: i32) -> (i32, i32) {
    %c0_i32 = arith.constant 0 : i32
    %c0_i32_0 = arith.constant 0 : i32
    %c0_i32_1 = arith.constant 0 : i32
    return %c0_i32, %c0_i32_0 : i32, i32
  }
  func.func @transform_11(%arg0: i32) -> (i32, i32) {
    %c0_i32 = arith.constant 0 : i32
    %c0_i32_0 = arith.constant 0 : i32
    %c0_i32_1 = arith.constant 0 : i32
    return %c0_i32, %c0_i32_0 : i32, i32
  }
  func.func @transform_12(%arg0: i32) -> (i32, i32) {
    %c0_i32 = arith.constant 0 : i32
    %c0_i32_0 = arith.constant 0 : i32
    %c0_i32_1 = arith.constant 0 : i32
    return %c0_i32, %c0_i32_0 : i32, i32
  }
  func.func @transform_13(%arg0: i32) -> (i32, i32) {
    %c0_i32 = arith.constant 0 : i32
    %c0_i32_0 = arith.constant 0 : i32
    %c0_i32_1 = arith.constant 0 : i32
    return %c0_i32, %c0_i32_0 : i32, i32
  }
}

module attributes {stable_mosaic.version = 14 : i64} {
  func.func @_fin_body(%arg0: i32, %arg1: memref<512x128xf32, #tpu.memory_space<vmem>>, %arg2: memref<512x128xf32, #tpu.memory_space<vmem>>, %arg3: memref<5120x128xf32, #tpu.memory_space<vmem>>, %arg4: memref<1x1xf32, #tpu.memory_space<vmem>>, %arg5: memref<1x1xf32, #tpu.memory_space<vmem>>, %arg6: memref<1x1xf32, #tpu.memory_space<vmem>>, %arg7: memref<1x1xf32, #tpu.memory_space<vmem>>, %arg8: memref<1x1xf32, #tpu.memory_space<vmem>>, %arg9: memref<1x1xf32, #tpu.memory_space<vmem>>, %arg10: memref<1x1xf32, #tpu.memory_space<vmem>>, %arg11: memref<1x1xf32, #tpu.memory_space<vmem>>, %arg12: memref<1x1xf32, #tpu.memory_space<vmem>>, %arg13: memref<1x1xf32, #tpu.memory_space<vmem>>, %arg14: memref<1x1xf32, #tpu.memory_space<vmem>>, %arg15: memref<1x1xf32, #tpu.memory_space<vmem>>) attributes {dimension_semantics = [#tpu.dimension_semantics<arbitrary>], iteration_bounds = array<i64: 8>, scalar_prefetch = 0 : i64, scratch_operands = 2 : i64, tpu.core_type = #tpu.core_type<tc>, window_params = [{transform_indices = @transform_0, window_bounds = array<i64: 512, 128>}, {transform_indices = @transform_1, window_bounds = array<i64: 512, 128>}, {transform_indices = @transform_2, window_bounds = array<i64: 5120, 128>}, {pipeline_mode = #tpu.pipeline_mode<synchronous>, transform_indices = @transform_3, window_bounds = array<i64: 1, 1>}, {pipeline_mode = #tpu.pipeline_mode<synchronous>, transform_indices = @transform_4, window_bounds = array<i64: 1, 1>}, {pipeline_mode = #tpu.pipeline_mode<synchronous>, transform_indices = @transform_5, window_bounds = array<i64: 1, 1>}, {pipeline_mode = #tpu.pipeline_mode<synchronous>, transform_indices = @transform_6, window_bounds = array<i64: 1, 1>}, {pipeline_mode = #tpu.pipeline_mode<synchronous>, transform_indices = @transform_7, window_bounds = array<i64: 1, 1>}, {pipeline_mode = #tpu.pipeline_mode<synchronous>, transform_indices = @transform_8, window_bounds = array<i64: 1, 1>}, {pipeline_mode = #tpu.pipeline_mode<synchronous>, transform_indices = @transform_9, window_bounds = array<i64: 1, 1>}, {pipeline_mode = #tpu.pipeline_mode<synchronous>, transform_indices = @transform_10, window_bounds = array<i64: 1, 1>}, {pipeline_mode = #tpu.pipeline_mode<synchronous>, transform_indices = @transform_11, window_bounds = array<i64: 1, 1>}, {pipeline_mode = #tpu.pipeline_mode<synchronous>, transform_indices = @transform_12, window_bounds = array<i64: 1, 1>}]} {
    %eq3A = arith.constant 0 : i32
    %eq3A_0 = arith.cmpi eq, %arg0, %eq3A : i32
    %convert_element_type3A = arith.extui %eq3A_0 : i1 to i32
    %cond3A = arith.constant 0 : i32
    %cond3A_1 = arith.cmpi ne, %convert_element_type3A, %cond3A : i32
    scf.if %cond3A_1 {
      %broadcast_in_dim3A_58 = arith.constant 0.000000e+00 : f32
      %broadcast_in_dim3A_59 = vector.broadcast %broadcast_in_dim3A_58 : f32 to vector<1x1xf32>
      %swap3A_60 = arith.constant 0 : index
      %swap3A_61 = arith.constant 0 : index
      %swap3A_62 = vector.load %arg14[%swap3A_60, %swap3A_61] : memref<1x1xf32, #tpu.memory_space<vmem>>, vector<1x1xf32>
      tpu.vector_store %arg14[%swap3A_60, %swap3A_61], %broadcast_in_dim3A_59 {strides = array<i32>} : memref<1x1xf32, #tpu.memory_space<vmem>>, vector<1x1xf32>,
      %broadcast_in_dim3A_63 = arith.constant 0.000000e+00 : f32
      %broadcast_in_dim3A_64 = vector.broadcast %broadcast_in_dim3A_63 : f32 to vector<1x1xf32>
      %swap3A_65 = arith.constant 0 : index
      %swap3A_66 = arith.constant 0 : index
      %swap3A_67 = vector.load %arg15[%swap3A_65, %swap3A_66] : memref<1x1xf32, #tpu.memory_space<vmem>>, vector<1x1xf32>
      tpu.vector_store %arg15[%swap3A_65, %swap3A_66], %broadcast_in_dim3A_64 {strides = array<i32>} : memref<1x1xf32, #tpu.memory_space<vmem>>, vector<1x1xf32>,
    } else {
    }
    %get3A = arith.constant 0 : index
    %get3A_2 = arith.constant 0 : index
    %get3A_3 = vector.load %arg1[%get3A, %get3A_2] : memref<512x128xf32, #tpu.memory_space<vmem>>, vector<512x128xf32>
    %get3A_4 = arith.constant 0 : index
    %get3A_5 = arith.constant 0 : index
    %get3A_6 = vector.load %arg2[%get3A_4, %get3A_5] : memref<512x128xf32, #tpu.memory_space<vmem>>, vector<512x128xf32>
    %get3A_7 = arith.constant 0 : index
    %get3A_8 = arith.constant 0 : index
    %get3A_9 = vector.load %arg3[%get3A_7, %get3A_8] : memref<5120x128xf32, #tpu.memory_space<vmem>>, vector<5120x128xf32>
    %reshape3A = vector.shape_cast %get3A_9 : vector<5120x128xf32> to vector<512x10x128xf32>
    %broadcast_in_dim3A = vector.shape_cast %get3A_3 : vector<512x128xf32> to vector<512x1x128xf32>
    %mul3A = vector.broadcast %broadcast_in_dim3A : vector<512x1x128xf32> to vector<512x10x128xf32>
    %mul3A_10 = arith.mulf %mul3A, %reshape3A : vector<512x10x128xf32>
    %reduce_sum3A = arith.constant dense<0.000000e+00> : vector<512x10xf32>
    %reduce_sum3A_11 = vector.multi_reduction <add>, %mul3A_10, %reduce_sum3A [2] : vector<512x10x128xf32> to vector<512x10xf32>
    %broadcast_in_dim3A_12 = vector.shape_cast %get3A_6 : vector<512x128xf32> to vector<512x1x128xf32>
    %mul3A_13 = vector.broadcast %broadcast_in_dim3A_12 : vector<512x1x128xf32> to vector<512x10x128xf32>
    %mul3A_14 = arith.mulf %mul3A_13, %reshape3A : vector<512x10x128xf32>
    %reduce_sum3A_15 = arith.constant dense<0.000000e+00> : vector<512x10xf32>
    %reduce_sum3A_16 = vector.multi_reduction <add>, %mul3A_14, %reduce_sum3A_15 [2] : vector<512x10x128xf32> to vector<512x10xf32>
    %concatenate3A = tpu.concatenate %reduce_sum3A_11, %reduce_sum3A_16 in 1 : vector<512x10xf32>, vector<512x10xf32> -> vector<512x20xf32>
    %transpose3A = tpu.transpose %concatenate3A, [1, 0] : vector<512x20xf32> -> vector<20x512xf32>
    %mul3A_17 = arith.constant 14.2857141 : f32
    %mul3A_18 = vector.broadcast %mul3A_17 : f32 to vector<20x512xf32>
    %mul3A_19 = arith.mulf %transpose3A, %mul3A_18 : vector<20x512xf32>
    %max3A = arith.constant 0.000000e+00 : f32
    %max3A_20 = vector.broadcast %max3A : f32 to vector<20x512xf32>
    %max3A_21 = arith.maximumf %mul3A_19, %max3A_20 : vector<20x512xf32>
    %abs3A = math.absf %mul3A_19 : vector<20x512xf32>
    %neg3A = arith.constant 0.000000e+00 : f32
    %neg3A_22 = vector.broadcast %neg3A : f32 to vector<20x512xf32>
    %neg3A_23 = arith.subf %neg3A_22, %abs3A : vector<20x512xf32>
    %exp3A = math.exp %neg3A_23 : vector<20x512xf32>
    %add3A = arith.constant 1.000000e+00 : f32
    %add3A_24 = vector.broadcast %add3A : f32 to vector<20x512xf32>
    %add3A_25 = arith.addf %add3A_24, %exp3A : vector<20x512xf32>
    %log3A = math.log %add3A_25 : vector<20x512xf32>
    %add3A_26 = arith.addf %max3A_21, %log3A : vector<20x512xf32>
    %get3A_27 = arith.constant 0 : index
    %get3A_28 = arith.constant 0 : index
    %get3A_29 = vector.load %arg14[%get3A_27, %get3A_28] : memref<1x1xf32, #tpu.memory_space<vmem>>, vector<1x1xf32>
    %slice3A = vector.extract_strided_slice %add3A_26 {offsets = [0, 0], sizes = [10, 512], strides = [1, 1]} : vector<20x512xf32> to vector<10x512xf32>
    %reduce_sum3A_30 = vector.shape_cast %slice3A : vector<10x512xf32> to vector<1x10x512xf32>
    %reduce_sum3A_31 = arith.constant dense<0.000000e+00> : vector<1xf32>
    %reduce_sum3A_32 = vector.multi_reduction <add>, %reduce_sum3A_30, %reduce_sum3A_31 [1, 2] : vector<1x10x512xf32> to vector<1xf32>
    %reduce_sum3A_33 = vector.shape_cast %reduce_sum3A_32 : vector<1xf32> to vector<1x1x1xf32>
    %reduce_sum3A_34 = vector.extract %reduce_sum3A_33[0, 0, 0] : f32 from vector<1x1x1xf32>
    %broadcast_in_dim3A_35 = vector.broadcast %reduce_sum3A_34 : f32 to vector<1x1xf32>
    %add3A_36 = arith.addf %get3A_29, %broadcast_in_dim3A_35 : vector<1x1xf32>
    %swap3A = arith.constant 0 : index
    %swap3A_37 = arith.constant 0 : index
    %swap3A_38 = vector.load %arg14[%swap3A, %swap3A_37] : memref<1x1xf32, #tpu.memory_space<vmem>>, vector<1x1xf32>
    tpu.vector_store %arg14[%swap3A, %swap3A_37], %add3A_36 {strides = array<i32>} : memref<1x1xf32, #tpu.memory_space<vmem>>, vector<1x1xf32>,
    %get3A_39 = arith.constant 0 : index
    %get3A_40 = arith.constant 0 : index
    %get3A_41 = vector.load %arg15[%get3A_39, %get3A_40] : memref<1x1xf32, #tpu.memory_space<vmem>>, vector<1x1xf32>
    %slice3A_42 = vector.extract_strided_slice %add3A_26 {offsets = [10, 0], sizes = [10, 512], strides = [1, 1]} : vector<20x512xf32> to vector<10x512xf32>
    %reduce_sum3A_43 = vector.shape_cast %slice3A_42 : vector<10x512xf32> to vector<1x10x512xf32>
    %reduce_sum3A_44 = arith.constant dense<0.000000e+00> : vector<1xf32>
    %reduce_sum3A_45 = vector.multi_reduction <add>, %reduce_sum3A_43, %reduce_sum3A_44 [1, 2] : vector<1x10x512xf32> to vector<1xf32>
    %reduce_sum3A_46 = vector.shape_cast %reduce_sum3A_45 : vector<1xf32> to vector<1x1x1xf32>
    %reduce_sum3A_47 = vector.extract %reduce_sum3A_46[0, 0, 0] : f32 from vector<1x1x1xf32>
    %broadcast_in_dim3A_48 = vector.broadcast %reduce_sum3A_47 : f32 to vector<1x1xf32>
    %add3A_49 = arith.addf %get3A_41, %broadcast_in_dim3A_48 : vector<1x1xf32>
    %swap3A_50 = arith.constant 0 : index
    %swap3A_51 = arith.constant 0 : index
    %swap3A_52 = vector.load %arg15[%swap3A_50, %swap3A_51] : memref<1x1xf32, #tpu.memory_space<vmem>>, vector<1x1xf32>
    tpu.vector_store %arg15[%swap3A_50, %swap3A_51], %add3A_49 {strides = array<i32>} : memref<1x1xf32, #tpu.memory_space<vmem>>, vector<1x1xf32>,
    %eq3A_53 = arith.constant 7 : i32
    %eq3A_54 = arith.cmpi eq, %arg0, %eq3A_53 : i32
    %convert_element_type3A_55 = arith.extui %eq3A_54 : i1 to i32
    %cond3A_56 = arith.constant 0 : i32
    %cond3A_57 = arith.cmpi ne, %convert_element_type3A_55, %cond3A_56 : i32
    scf.if %cond3A_57 {
      %get3A_58 = arith.constant 0 : index
      %get3A_59 = arith.constant 0 : index
      %get3A_60 = vector.load %arg4[%get3A_58, %get3A_59] : memref<1x1xf32, #tpu.memory_space<vmem>>, vector<1x1xf32>
      %get3A_61 = arith.constant 0 : index
      %get3A_62 = arith.constant 0 : index
      %get3A_63 = vector.load %arg5[%get3A_61, %get3A_62] : memref<1x1xf32, #tpu.memory_space<vmem>>, vector<1x1xf32>
      %get3A_64 = arith.constant 0 : index
      %get3A_65 = arith.constant 0 : index
      %get3A_66 = vector.load %arg6[%get3A_64, %get3A_65] : memref<1x1xf32, #tpu.memory_space<vmem>>, vector<1x1xf32>
      %get3A_67 = arith.constant 0 : index
      %get3A_68 = arith.constant 0 : index
      %get3A_69 = vector.load %arg7[%get3A_67, %get3A_68] : memref<1x1xf32, #tpu.memory_space<vmem>>, vector<1x1xf32>
      %get3A_70 = arith.constant 0 : index
      %get3A_71 = arith.constant 0 : index
      %get3A_72 = vector.load %arg8[%get3A_70, %get3A_71] : memref<1x1xf32, #tpu.memory_space<vmem>>, vector<1x1xf32>
      %get3A_73 = arith.constant 0 : index
      %get3A_74 = arith.constant 0 : index
      %get3A_75 = vector.load %arg14[%get3A_73, %get3A_74] : memref<1x1xf32, #tpu.memory_space<vmem>>, vector<1x1xf32>
      %get3A_76 = arith.constant 0 : index
      %get3A_77 = arith.constant 0 : index
      %get3A_78 = vector.load %arg15[%get3A_76, %get3A_77] : memref<1x1xf32, #tpu.memory_space<vmem>>, vector<1x1xf32>
      %add3A_79 = arith.addf %get3A_60, %get3A_75 : vector<1x1xf32>
      %mul3A_80 = arith.constant 9.39002438E-6 : f32
      %mul3A_81 = vector.broadcast %mul3A_80 : f32 to vector<1x1xf32>
      %mul3A_82 = arith.mulf %add3A_79, %mul3A_81 : vector<1x1xf32>
      %add3A_83 = arith.addf %get3A_63, %get3A_78 : vector<1x1xf32>
      %mul3A_84 = arith.constant 9.39002417E-11 : f32
      %mul3A_85 = vector.broadcast %mul3A_84 : f32 to vector<1x1xf32>
      %mul3A_86 = arith.mulf %add3A_83, %mul3A_85 : vector<1x1xf32>
      %add3A_87 = arith.addf %get3A_66, %get3A_78 : vector<1x1xf32>
      %mul3A_88 = arith.constant 2.44140619E-9 : f32
      %mul3A_89 = vector.broadcast %mul3A_88 : f32 to vector<1x1xf32>
      %mul3A_90 = arith.mulf %add3A_87, %mul3A_89 : vector<1x1xf32>
      %mul3A_91 = arith.constant 2.44140625E-4 : f32
      %mul3A_92 = vector.broadcast %mul3A_91 : f32 to vector<1x1xf32>
      %mul3A_93 = arith.mulf %get3A_69, %mul3A_92 : vector<1x1xf32>
      %sub3A = arith.constant 1.000000e+00 : f32
      %sub3A_94 = vector.broadcast %sub3A : f32 to vector<1x1xf32>
      %sub3A_95 = arith.subf %sub3A_94, %mul3A_93 : vector<1x1xf32>
      %mul3A_96 = arith.constant -1.000000e-01 : f32
      %mul3A_97 = vector.broadcast %mul3A_96 : f32 to vector<1x1xf32>
      %mul3A_98 = arith.mulf %sub3A_95, %mul3A_97 : vector<1x1xf32>
      %add3A_99 = arith.addf %mul3A_82, %mul3A_86 : vector<1x1xf32>
      %add3A_100 = arith.addf %add3A_99, %mul3A_90 : vector<1x1xf32>
      %add3A_101 = arith.addf %add3A_100, %mul3A_98 : vector<1x1xf32>
      %mul3A_102 = arith.constant 9.99999974E-6 : f32
      %mul3A_103 = vector.broadcast %mul3A_102 : f32 to vector<1x1xf32>
      %mul3A_104 = arith.mulf %mul3A_103, %get3A_72 : vector<1x1xf32>
      %add3A_105 = arith.addf %add3A_101, %mul3A_104 : vector<1x1xf32>
      %swap3A_106 = arith.constant 0 : index
      %swap3A_107 = arith.constant 0 : index
      %swap3A_108 = vector.load %arg9[%swap3A_106, %swap3A_107] : memref<1x1xf32, #tpu.memory_space<vmem>>, vector<1x1xf32>
      tpu.vector_store %arg9[%swap3A_106, %swap3A_107], %add3A_105 {strides = array<i32>} : memref<1x1xf32, #tpu.memory_space<vmem>>, vector<1x1xf32>,
      %swap3A_109 = arith.constant 0 : index
      %swap3A_110 = arith.constant 0 : index
      %swap3A_111 = vector.load %arg10[%swap3A_109, %swap3A_110] : memref<1x1xf32, #tpu.memory_space<vmem>>, vector<1x1xf32>
      tpu.vector_store %arg10[%swap3A_109, %swap3A_110], %mul3A_82 {strides = array<i32>} : memref<1x1xf32, #tpu.memory_space<vmem>>, vector<1x1xf32>,
      %swap3A_112 = arith.constant 0 : index
      %swap3A_113 = arith.constant 0 : index
      %swap3A_114 = vector.load %arg11[%swap3A_112, %swap3A_113] : memref<1x1xf32, #tpu.memory_space<vmem>>, vector<1x1xf32>
      tpu.vector_store %arg11[%swap3A_112, %swap3A_113], %mul3A_86 {strides = array<i32>} : memref<1x1xf32, #tpu.memory_space<vmem>>, vector<1x1xf32>,
      %swap3A_115 = arith.constant 0 : index
      %swap3A_116 = arith.constant 0 : index
      %swap3A_117 = vector.load %arg12[%swap3A_115, %swap3A_116] : memref<1x1xf32, #tpu.memory_space<vmem>>, vector<1x1xf32>
      tpu.vector_store %arg12[%swap3A_115, %swap3A_116], %mul3A_90 {strides = array<i32>} : memref<1x1xf32, #tpu.memory_space<vmem>>, vector<1x1xf32>,
      %swap3A_118 = arith.constant 0 : index
      %swap3A_119 = arith.constant 0 : index
      %swap3A_120 = vector.load %arg13[%swap3A_118, %swap3A_119] : memref<1x1xf32, #tpu.memory_space<vmem>>, vector<1x1xf32>
      tpu.vector_store %arg13[%swap3A_118, %swap3A_119], %mul3A_98 {strides = array<i32>} : memref<1x1xf32, #tpu.memory_space<vmem>>, vector<1x1xf32>,
    } else {
    }
    return
  }
  func.func @transform_0(%arg0: i32) -> (i32, i32) {
    %c0_i32 = arith.constant 0 : i32
    %c0_i32_0 = arith.constant 0 : i32
    return %arg0, %c0_i32 : i32, i32
  }
  func.func @transform_1(%arg0: i32) -> (i32, i32) {
    %c0_i32 = arith.constant 0 : i32
    %c0_i32_0 = arith.constant 0 : i32
    return %arg0, %c0_i32 : i32, i32
  }
  func.func @transform_2(%arg0: i32) -> (i32, i32) {
    %c0_i32 = arith.constant 0 : i32
    %c0_i32_0 = arith.constant 0 : i32
    return %arg0, %c0_i32 : i32, i32
  }
  func.func @transform_3(%arg0: i32) -> (i32, i32) {
    %c0_i32 = arith.constant 0 : i32
    %c0_i32_0 = arith.constant 0 : i32
    %c0_i32_1 = arith.constant 0 : i32
    return %c0_i32, %c0_i32_0 : i32, i32
  }
  func.func @transform_4(%arg0: i32) -> (i32, i32) {
    %c0_i32 = arith.constant 0 : i32
    %c0_i32_0 = arith.constant 0 : i32
    %c0_i32_1 = arith.constant 0 : i32
    return %c0_i32, %c0_i32_0 : i32, i32
  }
  func.func @transform_5(%arg0: i32) -> (i32, i32) {
    %c0_i32 = arith.constant 0 : i32
    %c0_i32_0 = arith.constant 0 : i32
    %c0_i32_1 = arith.constant 0 : i32
    return %c0_i32, %c0_i32_0 : i32, i32
  }
  func.func @transform_6(%arg0: i32) -> (i32, i32) {
    %c0_i32 = arith.constant 0 : i32
    %c0_i32_0 = arith.constant 0 : i32
    %c0_i32_1 = arith.constant 0 : i32
    return %c0_i32, %c0_i32_0 : i32, i32
  }
  func.func @transform_7(%arg0: i32) -> (i32, i32) {
    %c0_i32 = arith.constant 0 : i32
    %c0_i32_0 = arith.constant 0 : i32
    %c0_i32_1 = arith.constant 0 : i32
    return %c0_i32, %c0_i32_0 : i32, i32
  }
  func.func @transform_8(%arg0: i32) -> (i32, i32) {
    %c0_i32 = arith.constant 0 : i32
    %c0_i32_0 = arith.constant 0 : i32
    %c0_i32_1 = arith.constant 0 : i32
    return %c0_i32, %c0_i32_0 : i32, i32
  }
  func.func @transform_9(%arg0: i32) -> (i32, i32) {
    %c0_i32 = arith.constant 0 : i32
    %c0_i32_0 = arith.constant 0 : i32
    %c0_i32_1 = arith.constant 0 : i32
    return %c0_i32, %c0_i32_0 : i32, i32
  }
  func.func @transform_10(%arg0: i32) -> (i32, i32) {
    %c0_i32 = arith.constant 0 : i32
    %c0_i32_0 = arith.constant 0 : i32
    %c0_i32_1 = arith.constant 0 : i32
    return %c0_i32, %c0_i32_0 : i32, i32
  }
  func.func @transform_11(%arg0: i32) -> (i32, i32) {
    %c0_i32 = arith.constant 0 : i32
    %c0_i32_0 = arith.constant 0 : i32
    %c0_i32_1 = arith.constant 0 : i32
    return %c0_i32, %c0_i32_0 : i32, i32
  }
  func.func @transform_12(%arg0: i32) -> (i32, i32) {
    %c0_i32 = arith.constant 0 : i32
    %c0_i32_0 = arith.constant 0 : i32
    %c0_i32_1 = arith.constant 0 : i32
    return %c0_i32, %c0_i32_0 : i32, i32
  }
}

</mosaic_0001>

<sc_bundles>
// kernel: kernel.5.cloned.1.call-start
scs
__scs_entry_jumppad:
0x0: {  	(pc) =	sbr.rel $0x88, $3  }
0x1: {  	(tag) =	ssettag $0x0;
	lr =	simm.s32 $0x1  }
0x2: {  	[smem:$0x3F9B] =	sst lr;
	_ =	strace $0xD0000000  }
0x3: {  	_ = 	snop  }
0x4: {  	_ = 	snop  }
0x5: {  	_ = 	snop  }
0x6: {  	_ = 	snop  }
0x7: {  	_ = 	snop  }
__scs_overlays_trampoline_lowered:
0x8: {  	[smem:$0x3FAA] =	sst s0  }
0x9: {  	[smem:$0x3FAB] =	sst s1  }
0xa: {  	[smem:$0x3FAC] =	sst s2  }
0xb: {  	[smem:$0x3FAD] =	sst s3  }
0xc: {  	[smem:$0x3FAE] =	sst s4  }
0xd: {  	[smem:$0x3FAF] =	sst s5  }
0xe: {  	[smem:$0x3FB0] =	sst s6  }
0xf: {  	[smem:$0x3FB1] =	sst s7  }
0x10: {  	[smem:$0x3FB2] =	sst s8  }
0x11: {  	[smem:$0x3FB3] =	sst s9;
	s0 =	simm.s32 @!p0 $0x0  }
0x12: {  	s1 =	sld [smem:$0x3F99];
	s0 =	simm.s32 @p0 $0x1  }
0x13: {  	[smem:$0x3FB4] =	sst s0;
	s0 =	simm.s32 @!p1 $0x0  }
0x14: {  	s2 =	sld [smem:$0x3F98];
	s0 =	simm.s32 @p1 $0x1  }
0x15: {  	[smem:$0x3FB5] =	sst s0;
	s0 =	simm.s32 @!p2 $0x0  }
0x16: {  	s3 =	sld [smem:$0x3FDB];
	s0 =	simm.s32 @p2 $0x1  }
0x17: {  	s4 =	simm.s32 $0x1BF5;
	[smem:$0x3FB7] =	sst s0  }
0x18: {  	s0 =	sld [smem:$0x3F9A];
	_ =	swait.ge [sflag:s4], $0x0  }
0x19: {  	s7 =	sld [smem:$0x3F9B]  }
0x1a: {  	s8 =	sadd.s32 $0xFFFFE003, lr  }
0x1b: {  	s9 =	sadd.s32 $0xFFFFFEF7, lr;
	s5 =	simm.s32 $0xFFFFFFFF;
	p2 =	slt.u32 s8, $0xFFFFF086  }
0x1c: {  	p1 =	slt.u32 s9, $0xF7A;
	s5 =	simm.s32 @!p2 $0x0  }
0x1d: {  	s5 =	simm.s32 @p1 $0x1;
	p0 =	seq.s32 s7, s2  }
0x1e: {  	s7 =	smul.u32 @!p0 $0xF7A, s2;
	p2 =	seq.s32 @!p0 s5, $0x0  }
0x1f: {  	s9 =	smul.u32 $0xF7A, s1;
	s8 =	simm.s32 @!p0 $0x1BF5;
	p2 =	por !p2, p0  }
0x20: {  	[sflag:s8] =	ssyncset.s32 @!p0 $0xFFFFF086;
	s6 =	sadd.s32 @!p0 s3, s7;
	s7 =	simm.s32 @!p0 $0x108  }
0x21: {  	s3 =	sadd.s32 s3, s9;
	s6 =	sadd.s32 @!p0 $0x88, s6;
	s7 =	simm.s32 @p2 $0x1082  }
0x22: {  	[simem:s7], [sflag:s8] =	dma.local @!p0 [hbm:s6], $0xF7A  }
0x23: {  	s9 =	sor.u32 $0xD0000000, s2;
	s6 =	simm.s32 $0x108;
	_ =	swait.ge @!p0 [sflag:s8], $0x0  }
0x24: {  	s3 =	sadd.s32 $0x88, s3;
	s6 =	simm.s32 @!p1 $0x1082;
	[sflag:s4] =	ssyncset.s32 $0xFFFFF086  }
0x25: {  	[simem:s6], [sflag:s4] =	dma.local [hbm:s3], $0xF7A  }
0x26: {  	[smem:$0x3F9B] =	sst s1;
	(tag) =	ssettag s2;
	_ =	strace s9  }
0x27: {  	s1 =	sld [smem:$0x3FAB]  }
0x28: {  	s2 =	sld [smem:$0x3FAC]  }
0x29: {  	s4 =	sld [smem:$0x3FAE]  }
0x2a: {  	p0 =	seq.s32 s5, $0x0;
	s5 =	sld [smem:$0x3FAF]  }
0x2b: {  	s6 =	sld [smem:$0x3FB0]  }
0x2c: {  	s7 =	sld [smem:$0x3FB1]  }
0x2d: {  	s3 =	simm.s32 $0x108;
	s8 =	sld [smem:$0x3FB2]  }
0x2e: {  	s3 =	simm.s32 @!p0 $0x1082;
	s9 =	sld [smem:$0x3FB3]  }
0x2f: {  	lr =	sadd.s32 s0, s3;
	s0 =	sld [smem:$0x3FAA]  }
0x30: {  	s3 =	sld [smem:$0x3FAD]  }
0x31: {  	[smem:$0x3FB6] =	sst s10  }
0x32: {  	s10 =	sld [smem:$0x3FB4];
	_ =	sdelay $0x3  }
0x33: {  	p0 =	seq.s32 s10, $0x1;
	s10 =	sld [smem:$0x3FB6];
	_ =	sdelay $0x3  }
0x34: {  	[smem:$0x3FB6] =	sst s10  }
0x35: {  	s10 =	sld [smem:$0x3FB5];
	_ =	sdelay $0x3  }
0x36: {  	p1 =	seq.s32 s10, $0x1;
	s10 =	sld [smem:$0x3FB6];
	_ =	sdelay $0x3  }
0x37: {  	[smem:$0x3FB6] =	sst s10  }
0x38: {  	s10 =	sld [smem:$0x3FB7]  }
0x39: {  	_ = 	snop;
	(pc) =	sbr.ind lr, $3  }
0x3a: {  	_ = 	snop  }
0x3b: {  	_ = 	snop  }
0x3c: {  	p2 =	seq.s32 s10, $0x1;
	s10 =	sld [smem:$0x3FB6]  }
0x3d: {  	_ =	shalt  }
0x3e: {  	_ =	shalt  }
0x3f: {  	_ =	shalt  }
0x40: {  	_ =	shalt  }
0x41: {  	_ =	shalt  }
0x42: {  	_ =	shalt  }
0x43: {  	_ =	shalt  }
0x44: {  	_ =	shalt  }
0x45: {  	_ =	shalt  }
0x46: {  	_ =	shalt  }
0x47: {  	_ =	shalt  }
0x48: {  	_ =	shalt  }
0x49: {  	_ =	shalt  }
0x4a: {  	_ =	shalt  }
0x4b: {  	_ =	shalt  }
0x4c: {  	_ =	shalt  }
0x4d: {  	_ =	shalt  }
0x4e: {  	_ =	shalt  }
0x4f: {  	_ =	shalt  }
0x50: {  	_ =	shalt  }
0x51: {  	_ =	shalt  }
0x52: {  	_ =	shalt  }
0x53: {  	_ =	shalt  }
0x54: {  	_ =	shalt  }
0x55: {  	_ =	shalt  }
0x56: {  	_ =	shalt  }
0x57: {  	_ =	shalt  }
0x58: {  	_ =	shalt  }
0x59: {  	_ =	shalt  }
0x5a: {  	_ =	shalt  }
0x5b: {  	_ =	shalt  }
0x5c: {  	_ =	shalt  }
0x5d: {  	_ =	shalt  }
0x5e: {  	_ =	shalt  }
0x5f: {  	_ =	shalt  }
0x60: {  	_ =	shalt  }
0x61: {  	_ =	shalt  }
0x62: {  	_ =	shalt  }
0x63: {  	_ =	shalt  }
0x64: {  	_ =	shalt  }
0x65: {  	_ =	shalt  }
0x66: {  	_ =	shalt  }
0x67: {  	_ =	shalt  }
0x68: {  	_ =	shalt  }
0x69: {  	_ =	shalt  }
0x6a: {  	_ =	shalt  }
0x6b: {  	_ =	shalt  }
0x6c: {  	_ =	shalt  }
0x6d: {  	_ =	shalt  }
0x6e: {  	_ =	shalt  }
0x6f: {  	_ =	shalt  }
0x70: {  	_ =	shalt  }
0x71: {  	_ =	shalt  }
0x72: {  	_ =	shalt  }
0x73: {  	_ =	shalt  }
0x74: {  	_ =	shalt  }
0x75: {  	_ =	shalt  }
0x76: {  	_ =	shalt  }
0x77: {  	_ =	shalt  }
0x78: {  	_ =	shalt  }
0x79: {  	_ =	shalt  }
0x7a: {  	_ =	shalt  }
0x7b: {  	_ =	shalt  }
0x7c: {  	_ =	shalt  }
0x7d: {  	_ =	shalt  }
0x7e: {  	_ =	shalt  }
0x7f: {  	_ =	shalt  }
0x80: {  	_ =	shalt  }
0x81: {  	_ =	shalt  }
0x82: {  	_ =	shalt  }
0x83: {  	_ =	shalt  }
0x84: {  	_ =	shalt  }
0x85: {  	_ =	shalt  }
0x86: {  	_ =	shalt  }
0x87: {  	_ =	shalt  }
.Lfunc_end0:
.L_simem_size_0:
called_computation_lowered:
.L_overlay_start_0:
0x88: {  	s2 =	sld [smem:$0x3FD9]  }
0x89: {  	s3 =	sld [smem:$0x3FFE];
	_ =	sdelay $0x1  }
0x8a: {  	s1 =	srdreg.scid  }
0x8b: {  	s0 =	sand.u32 $0x1, s1  }
0x8c: {  	s14 =	sshll.u32 s0, $0xA;
	s2 =	sadd.s32 s3, s2  }
0x8d: {  	s2 =	sadd.s32 s2, s14  }
0x8e: {  	[smem:$0x3FC2] =	sst s2  }
0x8f: {  	_ = 	snop  }
0x90: {  	s2 =	sld [smem:$0x3FD0];
	_ =	sdelay $0x2  }
0x91: {  	s15 =	simm.s32 $0xA;
	s4 =	simm.s32 $0x10  }
0x92: {  	[smem:s4], [sflag:s15] =	dma.local [hbm:s2], $0x1  }
0x93: {  	_ =	swait.eq [sflag:s15], $0x1  }
0x94: {  	[sflag:s15] =	ssyncset.done $0x0  }
0x95: {  	[sflag:s15] =	ssyncadd.s32 $0xFFFFFFFF  }
0x96: {  	s16 =	sld [smem:$0x15];
	(tm) =	ssettm $0x1  }
0x97: {  	s17 =	sld [smem:$0x3FFB];
	_ =	sdelay $0x3  }
0x98: {  	_ =	strace s17  }
0x99: {  	s3 =	sld [smem:$0x3FFC];
	_ =	sdelay $0x3  }
0x9a: {  	_ =	strace s3  }
0x9b: {  	s3 =	sld [smem:$0x3FFD];
	_ =	sdelay $0x3  }
0x9c: {  	_ =	strace s3  }
0x9d: {  	_ =	strace $0x8FFFFFFF  }
0x9e: {  	s18 =	sld [smem:$0x3FDB];
	_ =	sdelay $0x1  }
0x9f: {  	s19 =	simm.s32 $_scs_section_size  }
0xa0: {  	s5 =	simm.s32 $_size__tile_overlayer_lowered;
	s6 =	simm.s32 $_tile_overlayer_lowered  }
0xa1: {  	s22 =	simm.s32 $0x1BFF;
	s21 =	sshll.u32 s6, $0x1;
	s3 =	sadd.s32 s19, s18  }
0xa2: {  	s7 =	simm.s32 $0x0;
	s20 =	sshll.u32 s5, $0x1;
	s5 =	sadd.s32 s21, s3  }
0xa3: {  	[timem:s7], [sflag:s22] =	dma.local [hbm:s5], s20  }
0xa4: {  	_ =	swait.ge [sflag:s22], s20  }
0xa5: {  	s4 =	ssub.s32 $0x0, s20;
	[sflag:s22] =	ssyncset.done $0x0  }
0xa6: {  	[sflag:s22] =	ssyncadd.s32 s4;
	_ =	sdelay $0x1  }
0xa7: {  	s23 =	simm.s32 $0x1B8B  }
0xa8: {  	_ =	swait.ge [sflag:s23], $0x1  }
0xa9: {  	[sflag:s23] =	ssyncset.done $0x0  }
0xaa: {  	s25 =	simm.s32 $0x1B8E;
	s24 =	sld [smem:$0x3FFE];
	[sflag:s23] =	ssyncadd.s32 $0xFFFFFFFF  }
0xab: {  	s26 =	simm.s32 $execute0_lowered;
	[smem:$0x3FD2] =	sst s25  }
0xac: {  	s5 =	sshll.u32 s26, $0x1;
	_ =	strace $0x80000046;
	[dreg:$0x1] =	wrdreg $0xFFFFFFFF  }
0xad: {  	s28 =	simm.s32 $_size_execute0_lowered;
	s3 =	sadd.s32 s3, s5;
	[dreg:$0x0] =	wrdreg $0x0  }
0xae: {  	s5 =	sshll.u32 s28, $0x1;
	[dreg:$0x2] =	wrdreg s3  }
0xaf: {  	[dreg:$0x3] =	wrdreg s5  }
0xb0: {  	[dreg:$0x4] =	wrdreg $0xC0  }
0xb1: {  	_ =	task [dreg:s7], $0x5FFFF  }
0xb2: {  	[dreg:$0x1] =	wrdreg $0xFFFFFFFF  }
0xb3: {  	[dreg:$0x0] =	wrdreg $0x60  }
0xb4: {  	[dreg:$0x2] =	wrdreg s16  }
0xb5: {  	[dreg:$0x3] =	wrdreg s24  }
0xb6: {  	[dreg:$0x4] =	wrdreg $0x9  }
0xb7: {  	_ =	task.clear_ibuf [dreg:s7], $0x5FFFF;
	_ =	strace $0x90000046  }
0xb8: {  	s29 =	simm.s32 $0x9;
	_ =	strace $0x80000048  }
0xb9: {  	_ =	swait.ge [sflag:s29], $0x1  }
0xba: {  	[sflag:s29] =	ssyncadd.s32 $0xFFFFFFFF  }
0xbb: {  	_ =	strace $0x90000048  }
0xbc: {  	_ =	sfence  }
0xbd: {  	s30 =	sld [smem:$0x0];
	_ =	sdelay $0x2  }
0xbe: {  	s31 =	sshll.u32 s1, $0xD;
	s1 =	sshrl.u32 s1, $0x2  }
0xbf: {  	s3 =	sand.u32 $0x4000, s31;
	s1 =	sadd.s32 s1, s30  }
0xc0: {  	s0 =	sor.u32 s3, s0;
	s1 =	sshll.u32 s1, $0x11  }
0xc1: {  	s0 =	sor.u32 s1, s0  }
0xc2: {  	s0 =	sadd.s32 $0x8F2B, s0  }
0xc3: {  	[sflag:s0] =	ssyncadd.remote.s32 $0x1  }
0xc4: {  	_ =	sfence.sel $0xFFFF  }
0xc5: {  	[dreg:$0x0] =	wrdreg $0xFFFFFFFF;
	(pc) =	sbr.abs _section_cstart, $3  }
0xc6: {  	[dreg:$0x1] =	wrdreg $0xFFFFFFFF  }
0xc7: {  	_ =	task.clear_ibuf [dreg:s7], $0x2FFFF;
	_ =	strace $0x9FFFFFFF  }
0xc8: {  	(tm) =	ssettm $0x7FFFFFFF  }
0xc9: {  	_ =	shalt  }
tec
execute0_lowered:
.L_overlay_start_1:
0x0: {  	(tag) =	ssettag $0x1  }
0x1: {  	s1 =	srdreg.scid;
	s0 =	stileid.u32  }
0x2: {  	s24 =	sand.u32 $0x1, s1;
	s30 =	smul.u32 $0xC00, s0  }
0x3: {  	s2 =	rddreg [dreg:$0x0];
	s3 =	sshll.u32 s24, $0x9  }
0x4: {  	s17 =	rddreg [dreg:$0x1];
	s5 =	simm.s32 $0x80;
	s4 =	sor.u32 s3, s30  }
0x5: {  	s6 =	simm.s32 $0x400;
	s3 =	simm.s32 $0x0;
	s4 =	sshrl.u32 s4, $0x3  }
0x6: {  	s7 =	simm.s32 $0x5;
	[smem:$0x7FF] =	sst s3;
	s12 =	sadd.s32 s4, s17  }
0x7: {  	s1 =	rddreg [dreg:$0x2];
	_ =	strace $0x80000047;
	s4 =	sadd.s32 $0x1E00, s12  }
0x8: {  	[tilespmem:s3], [sflag:$0x5] =	stream.strided.gather [hbm4b:s4+s5], $0x180, s6, s5, $0x38;
	[tilespmem:$0x14600] =	vst v63  }
0x9: {  	_ =	swait.ge [sflag:s7], $0x180  }
0xa: {  	[sflag:s7] =	ssyncset.done $0x0  }
0xb: {  	s9 =	simm.s32 $0x180;
	s8 =	sadd.s32 $0x1E10, s12;
	[sflag:s7] =	ssyncadd.s32 $0xFFFFFE80  }
0xc: {  	[tilespmem:s9], [sflag:$0x5] =	stream.strided.gather [hbm4b:s8+s5], $0x180, s6, s5, $0x38;
	[tilespmem:$0x14600] =	vst v63  }
0xd: {  	_ =	swait.ge [sflag:s7], $0x180  }
0xe: {  	[sflag:s7] =	ssyncset.done $0x0  }
0xf: {  	s11 =	simm.s32 $0x300;
	s10 =	sadd.s32 $0x1E20, s12;
	[sflag:s7] =	ssyncadd.s32 $0xFFFFFE80  }
0x10: {  	[tilespmem:s11], [sflag:$0x5] =	stream.strided.gather [hbm4b:s10+s5], $0x180, s6, s5, $0x38;
	[tilespmem:$0x14600] =	vst v63  }
0x11: {  	_ =	swait.ge [sflag:s7], $0x180  }
0x12: {  	[sflag:s7] =	ssyncset.done $0x0  }
0x13: {  	s13 =	simm.s32 $0x480;
	s12 =	sadd.s32 $0x1E30, s12;
	[sflag:s7] =	ssyncadd.s32 $0xFFFFFE80  }
0x14: {  	[tilespmem:s13], [sflag:$0x5] =	stream.strided.gather [hbm4b:s12+s5], $0x180, s6, s5, $0x38;
	[tilespmem:$0x14600] =	vst v63  }
0x15: {  	s15 =	simm.s32 $0x600;
	_ =	swait.ge [sflag:s7], $0x180  }
0x16: {  	s16 =	simm.s32 $0x1;
	s14 =	sshll.u32 s0, $0x1;
	[sflag:s7] =	ssyncset.done $0x0  }
0x17: {  	s18 =	sor.u32 s24, s14;
	s14 =	simm.s32 $0x140;
	[sflag:s7] =	ssyncadd.s32 $0xFFFFFE80  }
0x18: {  	[tilespmem:s15], [sflag:$0x1] =	stream.indirect.gather [hbm4b:s2+s14], $0x80, s3, s14, $0xb8;
	[tilespmem:$0x14600] =	vst v63  }
0x19: {  	s19 =	smul.u32 $0x5000, s18;
	_ =	swait.ge [sflag:s16], $0xA000  }
0x1a: {  	s20 =	sadd.s32 $0x3600, s17;
	[sflag:s16] =	ssyncset.done $0x0  }
0x1b: {  	s17 =	sadd.s32 s20, s19;
	[sflag:s16] =	ssyncadd.s32 $0xFFFF6000  }
0x1c: {  	[hbm4b:s17+s3] =	stream.linear.scatter [tilespmem:s15], [sflag:$0x3], $0xA000, $0x38;
	[tilespmem:$0x14600] =	vst v63  }
0x1d: {  	s21 =	smul.u32 $0x28000, s18;
	s18 =	simm.s32 $0xA600;
	s19 =	simm.s32 $0x2  }
0x1e: {  	[tilespmem:s18], [sflag:$0x2] =	stream.indirect.gather [hbm4b:s2+s14], $0x80, s9, s14, $0xb8;
	[tilespmem:$0x14600] =	vst v63  }
0x1f: {  	s21 =	sshrl.u32 s21, $0x3;
	_ =	swait.ge [sflag:s19], $0xA000  }
0x20: {  	s25 =	sadd.s32 s20, s21;
	[sflag:s19] =	ssyncset.done $0x0  }
0x21: {  	s21 =	simm.s32 $0x3;
	s20 =	sadd.s32 $0x1400, s25;
	[sflag:s19] =	ssyncadd.s32 $0xFFFF6000  }
0x22: {  	[hbm4b:s20+s3] =	stream.linear.scatter [tilespmem:s18], [sflag:$0x4], $0xA000, $0x38;
	[tilespmem:$0x14600] =	vst v63  }
0x23: {  	_ =	swait.ge [sflag:s21], $0xA000  }
0x24: {  	[sflag:s21] =	ssyncset.done $0x0  }
0x25: {  	[sflag:s21] =	ssyncadd.s32 $0xFFFF6000  }
0x26: {  	[tilespmem:s15], [sflag:$0x1] =	stream.indirect.gather [hbm4b:s2+s14], $0x80, s11, s14, $0xb8;
	[tilespmem:$0x14600] =	vst v63  }
0x27: {  	_ =	swait.ge [sflag:s16], $0xA000  }
0x28: {  	[sflag:s16] =	ssyncset.done $0x0  }
0x29: {  	s22 =	simm.s32 $0x4;
	s23 =	sadd.s32 $0x2800, s25;
	[sflag:s16] =	ssyncadd.s32 $0xFFFF6000  }
0x2a: {  	[hbm4b:s23+s3] =	stream.linear.scatter [tilespmem:s15], [sflag:$0x3], $0xA000, $0x38;
	[tilespmem:$0x14600] =	vst v63  }
0x2b: {  	_ =	swait.ge [sflag:s22], $0xA000  }
0x2c: {  	s26 =	ssub.s32 $0x2, s24;
	[sflag:s22] =	ssyncset.done $0x0  }
0x2d: {  	s31 =	sshrl.u32 s26, $0x1;
	[sflag:s22] =	ssyncadd.s32 $0xFFFF6000  }
0x2e: {  	[tilespmem:s18], [sflag:$0x2] =	stream.indirect.gather [hbm4b:s2+s14], $0x80, s13, s14, $0xb8;
	[tilespmem:$0x14600] =	vst v63  }
0x2f: {  	s24 =	sadd.s32 $0x3C00, s25;
	s25 =	ssub.s32 s26, s31;
	_ =	swait.ge [sflag:s19], $0xA000  }
0x30: {  	s25 =	smax.u32 s25, $0x1;
	[sflag:s19] =	ssyncset.done $0x0  }
0x31: {  	p0 =	sne.s32 s25, $0x1;
	[sflag:s19] =	ssyncadd.s32 $0xFFFF6000  }
0x32: {  	[hbm4b:s24+s3] =	stream.linear.scatter [tilespmem:s18], [sflag:$0x4], $0xA000, $0x38;
	[tilespmem:$0x14600] =	vst v63  }
.Ltmp0:
0x33: {  	_ =	swait.ge [sflag:s21], $0xA000;
	(pc) =	sbr.rel @!p0 .LBB2_2-.Ltmp0, $4  }
0x34: {  	[sflag:s21] =	ssyncset.done $0x0  }
0x35: {  	[sflag:s21] =	ssyncadd.s32 $0xFFFF6000  }
0x36: {  	_ =	swait.ge [sflag:s22], $0xA000  }
0x37: {  	s25 =	sadd.s32 $0xFFFFFFFF, s25;
	[sflag:s22] =	ssyncset.done $0x0  }
.LBB2_1:
0x38: {  	p0 =	sne.s32 s25, $0x1;
	s25 =	sadd.s32 $0xFFFFFFFF, s25;
	[sflag:s22] =	ssyncadd.s32 $0xFFFF6000  }
0x39: {  	[tilespmem:s3], [sflag:$0x5] =	stream.strided.gather [hbm4b:s4+s5], $0x180, s6, s5, $0x38;
	[tilespmem:$0x14600] =	vst v63  }
0x3a: {  	_ =	swait.ge [sflag:s7], $0x180  }
0x3b: {  	[sflag:s7] =	ssyncset.done $0x0  }
0x3c: {  	[sflag:s7] =	ssyncadd.s32 $0xFFFFFE80  }
0x3d: {  	[tilespmem:s9], [sflag:$0x5] =	stream.strided.gather [hbm4b:s8+s5], $0x180, s6, s5, $0x38;
	[tilespmem:$0x14600] =	vst v63  }
0x3e: {  	_ =	swait.ge [sflag:s7], $0x180  }
0x3f: {  	[sflag:s7] =	ssyncset.done $0x0  }
0x40: {  	[sflag:s7] =	ssyncadd.s32 $0xFFFFFE80  }
0x41: {  	[tilespmem:s11], [sflag:$0x5] =	stream.strided.gather [hbm4b:s10+s5], $0x180, s6, s5, $0x38;
	[tilespmem:$0x14600] =	vst v63  }
0x42: {  	_ =	swait.ge [sflag:s7], $0x180  }
0x43: {  	[sflag:s7] =	ssyncset.done $0x0  }
0x44: {  	[sflag:s7] =	ssyncadd.s32 $0xFFFFFE80  }
0x45: {  	[tilespmem:s13], [sflag:$0x5] =	stream.strided.gather [hbm4b:s12+s5], $0x180, s6, s5, $0x38;
	[tilespmem:$0x14600] =	vst v63  }
0x46: {  	_ =	swait.ge [sflag:s7], $0x180  }
0x47: {  	[sflag:s7] =	ssyncset.done $0x0  }
0x48: {  	[sflag:s7] =	ssyncadd.s32 $0xFFFFFE80  }
0x49: {  	[tilespmem:s15], [sflag:$0x1] =	stream.indirect.gather [hbm4b:s2+s14], $0x80, s3, s14, $0xb8;
	[tilespmem:$0x14600] =	vst v63  }
0x4a: {  	_ =	swait.ge [sflag:s16], $0xA000  }
0x4b: {  	[sflag:s16] =	ssyncset.done $0x0  }
0x4c: {  	[sflag:s16] =	ssyncadd.s32 $0xFFFF6000  }
0x4d: {  	[hbm4b:s17+s3] =	stream.linear.scatter [tilespmem:s15], [sflag:$0x3], $0xA000, $0x38;
	[tilespmem:$0x14600] =	vst v63  }
0x4e: {  	_ = 	snop  }
0x4f: {  	[tilespmem:s18], [sflag:$0x2] =	stream.indirect.gather [hbm4b:s2+s14], $0x80, s9, s14, $0xb8;
	[tilespmem:$0x14600] =	vst v63  }
0x50: {  	_ =	swait.ge [sflag:s19], $0xA000  }
0x51: {  	[sflag:s19] =	ssyncset.done $0x0  }
0x52: {  	[sflag:s19] =	ssyncadd.s32 $0xFFFF6000  }
0x53: {  	[hbm4b:s20+s3] =	stream.linear.scatter [tilespmem:s18], [sflag:$0x4], $0xA000, $0x38;
	[tilespmem:$0x14600] =	vst v63  }
0x54: {  	_ =	swait.ge [sflag:s21], $0xA000  }
0x55: {  	[sflag:s21] =	ssyncset.done $0x0  }
0x56: {  	[sflag:s21] =	ssyncadd.s32 $0xFFFF6000  }
0x57: {  	[tilespmem:s15], [sflag:$0x1] =	stream.indirect.gather [hbm4b:s2+s14], $0x80, s11, s14, $0xb8;
	[tilespmem:$0x14600] =	vst v63  }
0x58: {  	_ =	swait.ge [sflag:s16], $0xA000  }
0x59: {  	[sflag:s16] =	ssyncset.done $0x0  }
0x5a: {  	[sflag:s16] =	ssyncadd.s32 $0xFFFF6000  }
0x5b: {  	[hbm4b:s23+s3] =	stream.linear.scatter [tilespmem:s15], [sflag:$0x3], $0xA000, $0x38;
	[tilespmem:$0x14600] =	vst v63  }
0x5c: {  	_ =	swait.ge [sflag:s22], $0xA000  }
0x5d: {  	[sflag:s22] =	ssyncset.done $0x0  }
0x5e: {  	[sflag:s22] =	ssyncadd.s32 $0xFFFF6000  }
0x5f: {  	[tilespmem:s18], [sflag:$0x2] =	stream.indirect.gather [hbm4b:s2+s14], $0x80, s13, s14, $0xb8;
	[tilespmem:$0x14600] =	vst v63  }
0x60: {  	_ =	swait.ge [sflag:s19], $0xA000  }
0x61: {  	[sflag:s19] =	ssyncset.done $0x0  }
0x62: {  	[sflag:s19] =	ssyncadd.s32 $0xFFFF6000  }
0x63: {  	[hbm4b:s24+s3] =	stream.linear.scatter [tilespmem:s18], [sflag:$0x4], $0xA000, $0x38;
	[tilespmem:$0x14600] =	vst v63  }
.Ltmp1:
0x64: {  	_ =	swait.ge [sflag:s21], $0xA000;
	(pc) =	sbr.rel @p0 .LBB2_1-.Ltmp1, $4  }
0x65: {  	[sflag:s21] =	ssyncset.done $0x0  }
0x66: {  	[sflag:s21] =	ssyncadd.s32 $0xFFFF6000  }
0x67: {  	_ =	swait.ge [sflag:s22], $0xA000  }
0x68: {  	[sflag:s22] =	ssyncset.done $0x0  }
.LBB2_2:
0x69: {  	[sflag:s22] =	ssyncadd.s32 $0xFFFF6000  }
0x6a: {  	_ =	sfence.sel $0x180000  }
0x6b: {  	[bflag:$0x0] =	sbarrier.arrive $0xFFFF  }
0x6c: {  	p0 =	sne.s32 s0, $0x0;
	_ =	strace $0x90000047  }
0x6d: {  	s0 =	sadd.s32 @!p0 $0x100000, s1;
	[bflag:$0x2] =	sbarrier.arrive $0xFFFF  }
0x6e: {  	[sflag:s0] =	ssyncadd.tile.s32 @!p0 $0x1;
	_ =	shalt  }
.Lfunc_end2:
_tile_overlayer_lowered:
.L_overlay_start_2:
0x6f: {  	(tag) =	ssettag $0x2  }
0x70: {  	s0 =	rddreg [dreg:$0x0];
	s2 =	stileid.u32  }
0x71: {  	s1 =	rddreg [dreg:$0x1];
	p0 =	sne.s32 s2, $0x0  }
0x72: {  	s3 =	rddreg [dreg:$0x2];
	[bflag:$0x3] =	sbarrier.arrive $0xFFFF;
	s2 =	simm.s32 @!p0 $0x1C05  }
0x73: {  	[timem:s3], [sflag:s2] =	dma.local @!p0 [hbm:s0], s1  }
0x74: {  	s0 =	simm.s32 @!p0 $0x5  }
0x75: {  	_ =	swait.ge @!p0 [sflag:s0], s1  }
0x76: {  	s1 =	ssub.s32 @!p0 $0x0, s1;
	[sflag:s0] =	ssyncset.done @!p0 $0x0  }
0x77: {  	[sflag:s0] =	ssyncadd.s32 @!p0 s1  }
0x78: {  	[bflag:$0x3] =	sbarrier.arrive $0xFFFF  }
0x79: {  	_ =	shalt  }

</sc_bundles>
